<compile_context>
chip_gen: v7x
topology: tpu7x:2x2x1
jax: 0.10.2.dev20260603
libtpu: 0.0.44.dev20260713+nightly
codegen_flags: <defaults>
</compile_context>

<pallas_src>
import jax
import jax.numpy as jnp
from jax import lax
from jax.experimental import pallas as pl
from jax.experimental.pallas import tpu as pltpu
from jax.experimental.pallas import tpu_sc as plsc

_SIGMA = 1.0
_EPSILON = 5.0
_ALPHA = 5.0
_CUTOFF = 2.5

_NC = 2
_NS = 16
_NW = _NC * _NS
_L = 16
_C = 2000
_NPAD = 100096


def _rsqrt(d2):
    i = lax.bitcast_convert_type(d2, jnp.int32)
    i = jnp.int32(0x5F3759DF) - (i >> 1)
    y = lax.bitcast_convert_type(i, jnp.float32)
    for _ in range(3):
        y = y * (1.5 - 0.5 * d2 * y * y)
    return y


def _sc_body(px_hbm, py_hbm, pz_hbm, src_hbm, dst_hbm,
             ae_out, fx_out, fy_out, fz_out, esum_out,
             idx_s0, idx_d0, idx_s1, idx_d1,
             gsx0, gsy0, gsz0, gdx0, gdy0, gdz0,
             gsx1, gsy1, gsz1, gdx1, gdy1, gdz1,
             ue, usx, usy, usz, udx, udy, udz, esum_v, stage,
             sem_i0, sem_i1, sem_g0, sem_g1, sem_s,
             xs_sh, ys_sh, zs_sh, ae_sh, fx_sh, fy_sh, fz_sh):
    npad = px_hbm.shape[0]
    e = src_hbm.shape[0]
    cid = lax.axis_index("c")
    sid = lax.axis_index("s")
    wid = sid * _NC + cid
    rpt = npad // _NS
    r0 = sid * rpt

    sl = pl.ds(r0, rpt)

    def zfill(j, _):
        stage[pl.ds(j * _L, _L)] = jnp.zeros((_L,), jnp.float32)
        return 0

    lax.fori_loop(0, rpt // _L, zfill, 0)
    pltpu.sync_copy(stage, ae_sh.at[sl])
    pltpu.sync_copy(stage, fx_sh.at[sl])
    pltpu.sync_copy(stage, fy_sh.at[sl])
    pltpu.sync_copy(stage, fz_sh.at[sl])
    for hbm, sh in ((px_hbm, xs_sh), (py_hbm, ys_sh), (pz_hbm, zs_sh)):
        pltpu.sync_copy(hbm.at[sl], stage)
        pltpu.sync_copy(stage, sh.at[sl])
    plsc.subcore_barrier()

    e_per_w = e // _NW
    n_chunks = e_per_w // _C
    base0 = wid * e_per_w

    bufs = (
        (idx_s0, idx_d0, gsx0, gsy0, gsz0, gdx0, gdy0, gdz0, sem_i0, sem_g0),
        (idx_s1, idx_d1, gsx1, gsy1, gsz1, gdx1, gdy1, gdz1, sem_i1, sem_g1),
    )

    def issue_idx(i, b):
        i_s, i_d, sem_i = bufs[b][0], bufs[b][1], bufs[b][8]
        base = base0 + i * _C
        pltpu.async_copy(src_hbm.at[pl.ds(base, _C)], i_s, sem_i)
        pltpu.async_copy(dst_hbm.at[pl.ds(base, _C)], i_d, sem_i)

    def wait_idx(b):
        i_s, i_d, sem_i = bufs[b][0], bufs[b][1], bufs[b][8]
        pltpu.make_async_copy(src_hbm.at[pl.ds(0, _C)], i_s, sem_i).wait()
        pltpu.make_async_copy(dst_hbm.at[pl.ds(0, _C)], i_d, sem_i).wait()

    def issue_gathers(b):
        i_s, i_d = bufs[b][0], bufs[b][1]
        x1, y1, z1, x2, y2, z2 = bufs[b][2:8]
        sem_g = bufs[b][9]
        pltpu.async_copy(xs_sh.at[i_s], x1, sem_g)
        pltpu.async_copy(ys_sh.at[i_s], y1, sem_g)
        pltpu.async_copy(zs_sh.at[i_s], z1, sem_g)
        pltpu.async_copy(xs_sh.at[i_d], x2, sem_g)
        pltpu.async_copy(ys_sh.at[i_d], y2, sem_g)
        pltpu.async_copy(zs_sh.at[i_d], z2, sem_g)

    def wait_gathers(b):
        i_s, i_d = bufs[b][0], bufs[b][1]
        x1, y1, z1, x2, y2, z2 = bufs[b][2:8]
        sem_g = bufs[b][9]
        pltpu.make_async_copy(xs_sh.at[i_s], x1, sem_g).wait()
        pltpu.make_async_copy(ys_sh.at[i_s], y1, sem_g).wait()
        pltpu.make_async_copy(zs_sh.at[i_s], z1, sem_g).wait()
        pltpu.make_async_copy(xs_sh.at[i_d], x2, sem_g).wait()
        pltpu.make_async_copy(ys_sh.at[i_d], y2, sem_g).wait()
        pltpu.make_async_copy(zs_sh.at[i_d], z2, sem_g).wait()

    def make_grp(b):
        x1, y1, z1, x2, y2, z2 = bufs[b][2:8]

        def grp(g, ev):
            s = pl.ds(g * _L, _L)
            dx = x2[s] - x1[s]
            dy = y2[s] - y1[s]
            dz = z2[s] - z1[s]
            d2 = dx * dx + dy * dy + dz * dz
            valid = d2 > 0.0
            yk = _rsqrt(d2)
            dr = jnp.where(valid, d2 * yk, 0.0)
            em = jnp.exp(-_ALPHA * (dr - _SIGMA))
            om = 1.0 - em
            mask = valid & (dr < _CUTOFF)
            pe = jnp.where(mask, _EPSILON * om * om - _EPSILON, 0.0)
            pf = jnp.where(mask, (-2.0 * _ALPHA * _EPSILON) * em * om, 0.0)
            sc = pf * yk
            fx = sc * dx
            fy = sc * dy
            fz = sc * dz
            ue[s] = 0.5 * pe
            usx[s] = -fx
            usy[s] = -fy
            usz[s] = -fz
            udx[s] = fx
            udy[s] = fy
            udz[s] = fz
            return ev + pe

        return grp

    def scatter_chunk(b):
        i_s, i_d = bufs[b][0], bufs[b][1]
        sds = [
            pltpu.async_copy(ue, ae_sh.at[i_s], sem_s, add=True),
            pltpu.async_copy(ue, ae_sh.at[i_d], sem_s, add=True),
            pltpu.async_copy(usx, fx_sh.at[i_s], sem_s, add=True),
            pltpu.async_copy(usy, fy_sh.at[i_s], sem_s, add=True),
            pltpu.async_copy(usz, fz_sh.at[i_s], sem_s, add=True),
            pltpu.async_copy(udx, fx_sh.at[i_d], sem_s, add=True),
            pltpu.async_copy(udy, fy_sh.at[i_d], sem_s, add=True),
            pltpu.async_copy(udz, fz_sh.at[i_d], sem_s, add=True),
        ]
        for d in sds:
            d.wait()

    def phase(i, b, ev):
        wait_gathers(b)

        @pl.when(i + 1 < n_chunks)
        def _():
            issue_idx(i + 1, 1 - b)
            wait_idx(1 - b)
            issue_gathers(1 - b)

        ev = lax.fori_loop(0, _C // _L, make_grp(b), ev)
        scatter_chunk(b)
        return ev

    issue_idx(0, 0)
    wait_idx(0)
    issue_gathers(0)

    def pair(j, ev):
        ev = phase(2 * j, 0, ev)
        ev = phase(2 * j + 1, 1, ev)
        return ev

    evec = lax.fori_loop(0, n_chunks // 2, pair,
                         jnp.zeros((_L,), jnp.float32))
    esum_v[...] = evec
    plsc.subcore_barrier()
    osl = pl.ds(cid * npad + r0, rpt)
    for sh, out in ((ae_sh, ae_out), (fx_sh, fx_out),
                    (fy_sh, fy_out), (fz_sh, fz_out)):
        pltpu.sync_copy(sh.at[sl], stage)
        pltpu.sync_copy(stage, out.at[osl])
    pltpu.sync_copy(esum_v, esum_out.at[pl.ds(wid * _L, _L)])


def kernel(positions, mapping):
    n = positions.shape[0]
    pad = _NPAD - n
    px = jnp.pad(positions[:, 0], (0, pad))
    py = jnp.pad(positions[:, 1], (0, pad))
    pz = jnp.pad(positions[:, 2], (0, pad))
    src = mapping[0]
    dst = mapping[1]

    mesh = plsc.VectorSubcoreMesh(core_axis_name="c", subcore_axis_name="s")
    f32 = jnp.float32
    kfn = pl.kernel(
        _sc_body,
        out_type=(
            jax.ShapeDtypeStruct((_NC * _NPAD,), f32),
            jax.ShapeDtypeStruct((_NC * _NPAD,), f32),
            jax.ShapeDtypeStruct((_NC * _NPAD,), f32),
            jax.ShapeDtypeStruct((_NC * _NPAD,), f32),
            jax.ShapeDtypeStruct((_NW * _L,), f32),
        ),
        mesh=mesh,
        scratch_types=(
            [pltpu.VMEM((_C,), jnp.int32)] * 4
            + [pltpu.VMEM((_C,), f32)] * 12
            + [pltpu.VMEM((_C,), f32)] * 7
            + [pltpu.VMEM((_L,), f32)]
            + [pltpu.VMEM((_NPAD // _NS,), f32)]
            + [pltpu.SemaphoreType.DMA] * 5
            + [pltpu.VMEM_SHARED((_NPAD,), f32)] * 7
        ),
    )
    ae, fx, fy, fz, esum = kfn(px, py, pz, src, dst)
    atom_energies = ae[:n] + ae[_NPAD:_NPAD + n]
    forces = jnp.stack(
        [fx[:n] + fx[_NPAD:_NPAD + n],
         fy[:n] + fy[_NPAD:_NPAD + n],
         fz[:n] + fz[_NPAD:_NPAD + n]], axis=-1)
    energy = 0.5 * jnp.sum(esum)
    return energy, atom_energies, forces

# --- scband reference (transcript-rebuilt; emitter-appended) ---
"""Pipeline reference for scband-unbatched-morse-model-30176440222234 (READ-ONLY COPY).

The authoritative reference and input builder live on the scoring server;
editing this copy changes nothing except your own understanding.
"""

import jax, jax.numpy as jnp
import numpy as np

N_NODES = 100000
N_EDGES = 6400000
SIGMA = 1.0
EPSILON = 5.0
ALPHA = 5.0
CUTOFF = 2.5


def setup_inputs(seed: int = 0) -> dict:
    key = jax.random.key(seed)
    k1, k2 = jax.random.split(key, 2)
    positions = jax.random.normal(k1, (N_NODES, 3), dtype=jnp.float32)
    mapping = jax.random.randint(k2, (2, N_EDGES), 0, N_NODES, dtype=jnp.int32)
    return {"positions": positions, "mapping": mapping}


def _morse_pair(dr):
    e = EPSILON * (1.0 - jnp.exp(-ALPHA * (dr - SIGMA))) ** 2 - EPSILON
    return jnp.where(dr > 0, e, jnp.zeros_like(e))


def _morse_pair_force(dr):
    exp_term = jnp.exp(-ALPHA * (dr - SIGMA))
    f = -2.0 * ALPHA * EPSILON * exp_term * (1.0 - exp_term)
    return jnp.where(dr > 0, f, jnp.zeros_like(f))


def reference(positions, mapping):
    src = mapping[0]
    dst = mapping[1]
    # get_pair_displacements (no PBC shifts): dr_vec = pos[j] - pos[i]
    dr_vec = positions[dst] - positions[src]
    d2 = jnp.sum(dr_vec * dr_vec, axis=-1)
    safe_d2 = jnp.where(d2 > 0.0, d2, 1.0)
    distances = jnp.where(d2 > 0.0, jnp.sqrt(safe_d2), 0.0)

    pair_energies = _morse_pair(distances)
    mask = distances < CUTOFF
    pair_energies = jnp.where(mask, pair_energies, jnp.zeros_like(pair_energies))
    energy = 0.5 * jnp.sum(pair_energies)

    # per-atom energies via scatter-add (index_add_)
    atom_energies = jnp.zeros((positions.shape[0],), dtype=positions.dtype)
    atom_energies = atom_energies.at[src].add(0.5 * pair_energies)
    atom_energies = atom_energies.at[dst].add(0.5 * pair_energies)

    # forces
    pair_forces = _morse_pair_force(distances)
    pair_forces = jnp.where(mask, pair_forces, jnp.zeros_like(pair_forces))
    safe_d = jnp.where(distances > 0, distances, jnp.ones_like(distances))
    force_vectors = (pair_forces / safe_d)[:, None] * dr_vec
    forces = jnp.zeros_like(positions)
    forces = forces.at[src].add(-force_vectors)
    forces = forces.at[dst].add(force_vectors)

    return energy, atom_energies, forces

if __name__ == "__main__":
    import jax
    _d = setup_inputs()
    print(jax.jit(kernel)(*tuple(_d.values())))

</pallas_src>

<mosaic_0001>
#map = affine_map<(d0, d1) -> (0)>
module attributes {stable_mosaic.version = 14 : i64} {
  func.func @_sc_body(%arg0: i32, %arg1: i32, %arg2: memref<100096xf32, #tpu.memory_space<hbm>>, %arg3: memref<100096xf32, #tpu.memory_space<hbm>>, %arg4: memref<100096xf32, #tpu.memory_space<hbm>>, %arg5: memref<6400000xi32, #tpu.memory_space<hbm>>, %arg6: memref<6400000xi32, #tpu.memory_space<hbm>>, %arg7: memref<200192xf32, #tpu.memory_space<hbm>>, %arg8: memref<200192xf32, #tpu.memory_space<hbm>>, %arg9: memref<200192xf32, #tpu.memory_space<hbm>>, %arg10: memref<200192xf32, #tpu.memory_space<hbm>>, %arg11: memref<512xf32, #tpu.memory_space<hbm>>, %arg12: memref<2000xi32, #tpu.memory_space<vmem>>, %arg13: memref<2000xi32, #tpu.memory_space<vmem>>, %arg14: memref<2000xi32, #tpu.memory_space<vmem>>, %arg15: memref<2000xi32, #tpu.memory_space<vmem>>, %arg16: memref<2000xf32, #tpu.memory_space<vmem>>, %arg17: memref<2000xf32, #tpu.memory_space<vmem>>, %arg18: memref<2000xf32, #tpu.memory_space<vmem>>, %arg19: memref<2000xf32, #tpu.memory_space<vmem>>, %arg20: memref<2000xf32, #tpu.memory_space<vmem>>, %arg21: memref<2000xf32, #tpu.memory_space<vmem>>, %arg22: memref<2000xf32, #tpu.memory_space<vmem>>, %arg23: memref<2000xf32, #tpu.memory_space<vmem>>, %arg24: memref<2000xf32, #tpu.memory_space<vmem>>, %arg25: memref<2000xf32, #tpu.memory_space<vmem>>, %arg26: memref<2000xf32, #tpu.memory_space<vmem>>, %arg27: memref<2000xf32, #tpu.memory_space<vmem>>, %arg28: memref<2000xf32, #tpu.memory_space<vmem>>, %arg29: memref<2000xf32, #tpu.memory_space<vmem>>, %arg30: memref<2000xf32, #tpu.memory_space<vmem>>, %arg31: memref<2000xf32, #tpu.memory_space<vmem>>, %arg32: memref<2000xf32, #tpu.memory_space<vmem>>, %arg33: memref<2000xf32, #tpu.memory_space<vmem>>, %arg34: memref<2000xf32, #tpu.memory_space<vmem>>, %arg35: memref<16xf32, #tpu.memory_space<vmem>>, %arg36: memref<6256xf32, #tpu.memory_space<vmem>>, %arg37: memref<!tpu.dma_semaphore, #tpu.memory_space<semaphore_mem>>, %arg38: memref<!tpu.dma_semaphore, #tpu.memory_space<semaphore_mem>>, %arg39: memref<!tpu.dma_semaphore, #tpu.memory_space<semaphore_mem>>, %arg40: memref<!tpu.dma_semaphore, #tpu.memory_space<semaphore_mem>>, %arg41: memref<!tpu.dma_semaphore, #tpu.memory_space<semaphore_mem>>, %arg42: memref<100096xf32, #tpu.memory_space<vmem_shared>>, %arg43: memref<100096xf32, #tpu.memory_space<vmem_shared>>, %arg44: memref<100096xf32, #tpu.memory_space<vmem_shared>>, %arg45: memref<100096xf32, #tpu.memory_space<vmem_shared>>, %arg46: memref<100096xf32, #tpu.memory_space<vmem_shared>>, %arg47: memref<100096xf32, #tpu.memory_space<vmem_shared>>, %arg48: memref<100096xf32, #tpu.memory_space<vmem_shared>>) attributes {dimension_semantics = [#tpu.dimension_semantics<core_parallel>, #tpu.dimension_semantics<subcore_parallel>], iteration_bounds = array<i64: 2, 16>, scalar_prefetch = 0 : i64, scratch_operands = 37 : i64, tpu.core_type = #tpu.core_type<sc_vector_subcore>, window_params = [{transform_indices = #map}, {transform_indices = #map}, {transform_indices = #map}, {transform_indices = #map}, {transform_indices = #map}, {transform_indices = #map}, {transform_indices = #map}, {transform_indices = #map}, {transform_indices = #map}, {transform_indices = #map}]} {
    %mul3A = arith.constant 2 : i32
    %mul3A_0 = arith.muli %arg1, %mul3A : i32
    %add3A = arith.addi %mul3A_0, %arg0 : i32
    %mul3A_1 = arith.constant 6256 : i32
    %mul3A_2 = arith.muli %arg1, %mul3A_1 : i32
    %scan3A = arith.constant 0 : i32
    %scan3A_3 = arith.constant 0 : i32
    %scan3A_4 = arith.constant 391 : i32
    %scan3A_5 = arith.addi %scan3A_3, %scan3A_4 : i32
    %scan3A_6 = arith.constant 1 : i32
    %scan3A_7 = scf.for %scan3A_51 = %scan3A_3 to %scan3A_5 step %scan3A_6 iter_args(%scan3A_52 = %scan3A) -> (i32)  : i32 {
      %broadcast_in_dim3A_53 = arith.constant 0.000000e+00 : f32
      %broadcast_in_dim3A_54 = vector.broadcast %broadcast_in_dim3A_53 : f32 to vector<16xf32>
      %mul3A_55 = arith.constant 16 : i32
      %mul3A_56 = arith.muli %scan3A_51, %mul3A_55 : i32
      %swap3A_57 = arith.index_cast %mul3A_56 : i32 to index
      %swap3A_58 = tpu.vector_load %arg36[%swap3A_57] {strides = array<i32>} : memref<6256xf32, #tpu.memory_space<vmem>>, vector<16xf32>,
      %swap3A_59 = vector.shape_cast %swap3A_58 : vector<16xf32> to vector<16xf32>
      %swap3A_60 = vector.shape_cast %broadcast_in_dim3A_54 : vector<16xf32> to vector<16xf32>
      tpu.vector_store %arg36[%swap3A_57], %swap3A_60 {strides = array<i32>} : memref<6256xf32, #tpu.memory_space<vmem>>, vector<16xf32>,
      %scan3A_61 = arith.constant 0 : i32
      scf.yield %scan3A_61 : i32
    }
    %scan3A_8 = arith.constant 391 : i32
    "tpu.region"() ({
      %run_scoped3A = tpu.sem_alloc : memref<!tpu.dma_semaphore, #tpu.memory_space<semaphore_mem>>
      %dma_start3A_51 = tpu.memref_slice %arg45[%mul3A_2] : memref<100096xf32, #tpu.memory_space<vmem_shared>> -> memref<6256xf32, #tpu.memory_space<vmem_shared>>
      %dma_start3A_52 = tpu.memref_slice %arg45[%mul3A_2] : memref<100096xf32, #tpu.memory_space<vmem_shared>> -> memref<6256xf32, #tpu.memory_space<vmem_shared>>
      tpu.enqueue_dma source(%arg36 : memref<6256xf32, #tpu.memory_space<vmem>>) target(%dma_start3A_52 : memref<6256xf32, #tpu.memory_space<vmem_shared>>) target_semaphore(%run_scoped3A : memref<!tpu.dma_semaphore, #tpu.memory_space<semaphore_mem>>)
      %dma_wait3A_53 = tpu.memref_slice %arg45[%mul3A_2] : memref<100096xf32, #tpu.memory_space<vmem_shared>> -> memref<6256xf32, #tpu.memory_space<vmem_shared>>
      %dma_wait3A_54 = tpu.memref_slice %arg45[%mul3A_2] : memref<100096xf32, #tpu.memory_space<vmem_shared>> -> memref<6256xf32, #tpu.memory_space<vmem_shared>>
      tpu.wait_dma2 semaphore(%run_scoped3A : memref<!tpu.dma_semaphore, #tpu.memory_space<semaphore_mem>>) src(%arg36 : memref<6256xf32, #tpu.memory_space<vmem>>) dst(%dma_wait3A_54 : memref<6256xf32, #tpu.memory_space<vmem_shared>>)
      tpu.yield
    }) : () -> ()
    "tpu.region"() ({
      %run_scoped3A = tpu.sem_alloc : memref<!tpu.dma_semaphore, #tpu.memory_space<semaphore_mem>>
      %dma_start3A_51 = tpu.memref_slice %arg46[%mul3A_2] : memref<100096xf32, #tpu.memory_space<vmem_shared>> -> memref<6256xf32, #tpu.memory_space<vmem_shared>>
      %dma_start3A_52 = tpu.memref_slice %arg46[%mul3A_2] : memref<100096xf32, #tpu.memory_space<vmem_shared>> -> memref<6256xf32, #tpu.memory_space<vmem_shared>>
      tpu.enqueue_dma source(%arg36 : memref<6256xf32, #tpu.memory_space<vmem>>) target(%dma_start3A_52 : memref<6256xf32, #tpu.memory_space<vmem_shared>>) target_semaphore(%run_scoped3A : memref<!tpu.dma_semaphore, #tpu.memory_space<semaphore_mem>>)
      %dma_wait3A_53 = tpu.memref_slice %arg46[%mul3A_2] : memref<100096xf32, #tpu.memory_space<vmem_shared>> -> memref<6256xf32, #tpu.memory_space<vmem_shared>>
      %dma_wait3A_54 = tpu.memref_slice %arg46[%mul3A_2] : memref<100096xf32, #tpu.memory_space<vmem_shared>> -> memref<6256xf32, #tpu.memory_space<vmem_shared>>
      tpu.wait_dma2 semaphore(%run_scoped3A : memref<!tpu.dma_semaphore, #tpu.memory_space<semaphore_mem>>) src(%arg36 : memref<6256xf32, #tpu.memory_space<vmem>>) dst(%dma_wait3A_54 : memref<6256xf32, #tpu.memory_space<vmem_shared>>)
      tpu.yield
    }) : () -> ()
    "tpu.region"() ({
      %run_scoped3A = tpu.sem_alloc : memref<!tpu.dma_semaphore, #tpu.memory_space<semaphore_mem>>
      %dma_start3A_51 = tpu.memref_slice %arg47[%mul3A_2] : memref<100096xf32, #tpu.memory_space<vmem_shared>> -> memref<6256xf32, #tpu.memory_space<vmem_shared>>
      %dma_start3A_52 = tpu.memref_slice %arg47[%mul3A_2] : memref<100096xf32, #tpu.memory_space<vmem_shared>> -> memref<6256xf32, #tpu.memory_space<vmem_shared>>
      tpu.enqueue_dma source(%arg36 : memref<6256xf32, #tpu.memory_space<vmem>>) target(%dma_start3A_52 : memref<6256xf32, #tpu.memory_space<vmem_shared>>) target_semaphore(%run_scoped3A : memref<!tpu.dma_semaphore, #tpu.memory_space<semaphore_mem>>)
      %dma_wait3A_53 = tpu.memref_slice %arg47[%mul3A_2] : memref<100096xf32, #tpu.memory_space<vmem_shared>> -> memref<6256xf32, #tpu.memory_space<vmem_shared>>
      %dma_wait3A_54 = tpu.memref_slice %arg47[%mul3A_2] : memref<100096xf32, #tpu.memory_space<vmem_shared>> -> memref<6256xf32, #tpu.memory_space<vmem_shared>>
      tpu.wait_dma2 semaphore(%run_scoped3A : memref<!tpu.dma_semaphore, #tpu.memory_space<semaphore_mem>>) src(%arg36 : memref<6256xf32, #tpu.memory_space<vmem>>) dst(%dma_wait3A_54 : memref<6256xf32, #tpu.memory_space<vmem_shared>>)
      tpu.yield
    }) : () -> ()
    "tpu.region"() ({
      %run_scoped3A = tpu.sem_alloc : memref<!tpu.dma_semaphore, #tpu.memory_space<semaphore_mem>>
      %dma_start3A_51 = tpu.memref_slice %arg48[%mul3A_2] : memref<100096xf32, #tpu.memory_space<vmem_shared>> -> memref<6256xf32, #tpu.memory_space<vmem_shared>>
      %dma_start3A_52 = tpu.memref_slice %arg48[%mul3A_2] : memref<100096xf32, #tpu.memory_space<vmem_shared>> -> memref<6256xf32, #tpu.memory_space<vmem_shared>>
      tpu.enqueue_dma source(%arg36 : memref<6256xf32, #tpu.memory_space<vmem>>) target(%dma_start3A_52 : memref<6256xf32, #tpu.memory_space<vmem_shared>>) target_semaphore(%run_scoped3A : memref<!tpu.dma_semaphore, #tpu.memory_space<semaphore_mem>>)
      %dma_wait3A_53 = tpu.memref_slice %arg48[%mul3A_2] : memref<100096xf32, #tpu.memory_space<vmem_shared>> -> memref<6256xf32, #tpu.memory_space<vmem_shared>>
      %dma_wait3A_54 = tpu.memref_slice %arg48[%mul3A_2] : memref<100096xf32, #tpu.memory_space<vmem_shared>> -> memref<6256xf32, #tpu.memory_space<vmem_shared>>
      tpu.wait_dma2 semaphore(%run_scoped3A : memref<!tpu.dma_semaphore, #tpu.memory_space<semaphore_mem>>) src(%arg36 : memref<6256xf32, #tpu.memory_space<vmem>>) dst(%dma_wait3A_54 : memref<6256xf32, #tpu.memory_space<vmem_shared>>)
      tpu.yield
    }) : () -> ()
    "tpu.region"() ({
      %run_scoped3A = tpu.sem_alloc : memref<!tpu.dma_semaphore, #tpu.memory_space<semaphore_mem>>
      %dma_start3A_51 = tpu.memref_slice %arg2[%mul3A_2] : memref<100096xf32, #tpu.memory_space<hbm>> -> memref<6256xf32, #tpu.memory_space<hbm>>
      %dma_start3A_52 = tpu.memref_slice %arg2[%mul3A_2] : memref<100096xf32, #tpu.memory_space<hbm>> -> memref<6256xf32, #tpu.memory_space<hbm>>
      tpu.enqueue_dma source(%dma_start3A_52 : memref<6256xf32, #tpu.memory_space<hbm>>) target(%arg36 : memref<6256xf32, #tpu.memory_space<vmem>>) target_semaphore(%run_scoped3A : memref<!tpu.dma_semaphore, #tpu.memory_space<semaphore_mem>>)
      %dma_wait3A_53 = tpu.memref_slice %arg2[%mul3A_2] : memref<100096xf32, #tpu.memory_space<hbm>> -> memref<6256xf32, #tpu.memory_space<hbm>>
      %dma_wait3A_54 = tpu.memref_slice %arg2[%mul3A_2] : memref<100096xf32, #tpu.memory_space<hbm>> -> memref<6256xf32, #tpu.memory_space<hbm>>
      tpu.wait_dma2 semaphore(%run_scoped3A : memref<!tpu.dma_semaphore, #tpu.memory_space<semaphore_mem>>) src(%dma_wait3A_54 : memref<6256xf32, #tpu.memory_space<hbm>>) dst(%arg36 : memref<6256xf32, #tpu.memory_space<vmem>>)
      tpu.yield
    }) : () -> ()
    "tpu.region"() ({
      %run_scoped3A = tpu.sem_alloc : memref<!tpu.dma_semaphore, #tpu.memory_space<semaphore_mem>>
      %dma_start3A_51 = tpu.memref_slice %arg42[%mul3A_2] : memref<100096xf32, #tpu.memory_space<vmem_shared>> -> memref<6256xf32, #tpu.memory_space<vmem_shared>>
      %dma_start3A_52 = tpu.memref_slice %arg42[%mul3A_2] : memref<100096xf32, #tpu.memory_space<vmem_shared>> -> memref<6256xf32, #tpu.memory_space<vmem_shared>>
      tpu.enqueue_dma source(%arg36 : memref<6256xf32, #tpu.memory_space<vmem>>) target(%dma_start3A_52 : memref<6256xf32, #tpu.memory_space<vmem_shared>>) target_semaphore(%run_scoped3A : memref<!tpu.dma_semaphore, #tpu.memory_space<semaphore_mem>>)
      %dma_wait3A_53 = tpu.memref_slice %arg42[%mul3A_2] : memref<100096xf32, #tpu.memory_space<vmem_shared>> -> memref<6256xf32, #tpu.memory_space<vmem_shared>>
      %dma_wait3A_54 = tpu.memref_slice %arg42[%mul3A_2] : memref<100096xf32, #tpu.memory_space<vmem_shared>> -> memref<6256xf32, #tpu.memory_space<vmem_shared>>
      tpu.wait_dma2 semaphore(%run_scoped3A : memref<!tpu.dma_semaphore, #tpu.memory_space<semaphore_mem>>) src(%arg36 : memref<6256xf32, #tpu.memory_space<vmem>>) dst(%dma_wait3A_54 : memref<6256xf32, #tpu.memory_space<vmem_shared>>)
      tpu.yield
    }) : () -> ()
    "tpu.region"() ({
      %run_scoped3A = tpu.sem_alloc : memref<!tpu.dma_semaphore, #tpu.memory_space<semaphore_mem>>
      %dma_start3A_51 = tpu.memref_slice %arg3[%mul3A_2] : memref<100096xf32, #tpu.memory_space<hbm>> -> memref<6256xf32, #tpu.memory_space<hbm>>
      %dma_start3A_52 = tpu.memref_slice %arg3[%mul3A_2] : memref<100096xf32, #tpu.memory_space<hbm>> -> memref<6256xf32, #tpu.memory_space<hbm>>
      tpu.enqueue_dma source(%dma_start3A_52 : memref<6256xf32, #tpu.memory_space<hbm>>) target(%arg36 : memref<6256xf32, #tpu.memory_space<vmem>>) target_semaphore(%run_scoped3A : memref<!tpu.dma_semaphore, #tpu.memory_space<semaphore_mem>>)
      %dma_wait3A_53 = tpu.memref_slice %arg3[%mul3A_2] : memref<100096xf32, #tpu.memory_space<hbm>> -> memref<6256xf32, #tpu.memory_space<hbm>>
      %dma_wait3A_54 = tpu.memref_slice %arg3[%mul3A_2] : memref<100096xf32, #tpu.memory_space<hbm>> -> memref<6256xf32, #tpu.memory_space<hbm>>
      tpu.wait_dma2 semaphore(%run_scoped3A : memref<!tpu.dma_semaphore, #tpu.memory_space<semaphore_mem>>) src(%dma_wait3A_54 : memref<6256xf32, #tpu.memory_space<hbm>>) dst(%arg36 : memref<6256xf32, #tpu.memory_space<vmem>>)
      tpu.yield
    }) : () -> ()
    "tpu.region"() ({
      %run_scoped3A = tpu.sem_alloc : memref<!tpu.dma_semaphore, #tpu.memory_space<semaphore_mem>>
      %dma_start3A_51 = tpu.memref_slice %arg43[%mul3A_2] : memref<100096xf32, #tpu.memory_space<vmem_shared>> -> memref<6256xf32, #tpu.memory_space<vmem_shared>>
      %dma_start3A_52 = tpu.memref_slice %arg43[%mul3A_2] : memref<100096xf32, #tpu.memory_space<vmem_shared>> -> memref<6256xf32, #tpu.memory_space<vmem_shared>>
      tpu.enqueue_dma source(%arg36 : memref<6256xf32, #tpu.memory_space<vmem>>) target(%dma_start3A_52 : memref<6256xf32, #tpu.memory_space<vmem_shared>>) target_semaphore(%run_scoped3A : memref<!tpu.dma_semaphore, #tpu.memory_space<semaphore_mem>>)
      %dma_wait3A_53 = tpu.memref_slice %arg43[%mul3A_2] : memref<100096xf32, #tpu.memory_space<vmem_shared>> -> memref<6256xf32, #tpu.memory_space<vmem_shared>>
      %dma_wait3A_54 = tpu.memref_slice %arg43[%mul3A_2] : memref<100096xf32, #tpu.memory_space<vmem_shared>> -> memref<6256xf32, #tpu.memory_space<vmem_shared>>
      tpu.wait_dma2 semaphore(%run_scoped3A : memref<!tpu.dma_semaphore, #tpu.memory_space<semaphore_mem>>) src(%arg36 : memref<6256xf32, #tpu.memory_space<vmem>>) dst(%dma_wait3A_54 : memref<6256xf32, #tpu.memory_space<vmem_shared>>)
      tpu.yield
    }) : () -> ()
    "tpu.region"() ({
      %run_scoped3A = tpu.sem_alloc : memref<!tpu.dma_semaphore, #tpu.memory_space<semaphore_mem>>
      %dma_start3A_51 = tpu.memref_slice %arg4[%mul3A_2] : memref<100096xf32, #tpu.memory_space<hbm>> -> memref<6256xf32, #tpu.memory_space<hbm>>
      %dma_start3A_52 = tpu.memref_slice %arg4[%mul3A_2] : memref<100096xf32, #tpu.memory_space<hbm>> -> memref<6256xf32, #tpu.memory_space<hbm>>
      tpu.enqueue_dma source(%dma_start3A_52 : memref<6256xf32, #tpu.memory_space<hbm>>) target(%arg36 : memref<6256xf32, #tpu.memory_space<vmem>>) target_semaphore(%run_scoped3A : memref<!tpu.dma_semaphore, #tpu.memory_space<semaphore_mem>>)
      %dma_wait3A_53 = tpu.memref_slice %arg4[%mul3A_2] : memref<100096xf32, #tpu.memory_space<hbm>> -> memref<6256xf32, #tpu.memory_space<hbm>>
      %dma_wait3A_54 = tpu.memref_slice %arg4[%mul3A_2] : memref<100096xf32, #tpu.memory_space<hbm>> -> memref<6256xf32, #tpu.memory_space<hbm>>
      tpu.wait_dma2 semaphore(%run_scoped3A : memref<!tpu.dma_semaphore, #tpu.memory_space<semaphore_mem>>) src(%dma_wait3A_54 : memref<6256xf32, #tpu.memory_space<hbm>>) dst(%arg36 : memref<6256xf32, #tpu.memory_space<vmem>>)
      tpu.yield
    }) : () -> ()
    "tpu.region"() ({
      %run_scoped3A = tpu.sem_alloc : memref<!tpu.dma_semaphore, #tpu.memory_space<semaphore_mem>>
      %dma_start3A_51 = tpu.memref_slice %arg44[%mul3A_2] : memref<100096xf32, #tpu.memory_space<vmem_shared>> -> memref<6256xf32, #tpu.memory_space<vmem_shared>>
      %dma_start3A_52 = tpu.memref_slice %arg44[%mul3A_2] : memref<100096xf32, #tpu.memory_space<vmem_shared>> -> memref<6256xf32, #tpu.memory_space<vmem_shared>>
      tpu.enqueue_dma source(%arg36 : memref<6256xf32, #tpu.memory_space<vmem>>) target(%dma_start3A_52 : memref<6256xf32, #tpu.memory_space<vmem_shared>>) target_semaphore(%run_scoped3A : memref<!tpu.dma_semaphore, #tpu.memory_space<semaphore_mem>>)
      %dma_wait3A_53 = tpu.memref_slice %arg44[%mul3A_2] : memref<100096xf32, #tpu.memory_space<vmem_shared>> -> memref<6256xf32, #tpu.memory_space<vmem_shared>>
      %dma_wait3A_54 = tpu.memref_slice %arg44[%mul3A_2] : memref<100096xf32, #tpu.memory_space<vmem_shared>> -> memref<6256xf32, #tpu.memory_space<vmem_shared>>
      tpu.wait_dma2 semaphore(%run_scoped3A : memref<!tpu.dma_semaphore, #tpu.memory_space<semaphore_mem>>) src(%arg36 : memref<6256xf32, #tpu.memory_space<vmem>>) dst(%dma_wait3A_54 : memref<6256xf32, #tpu.memory_space<vmem_shared>>)
      tpu.yield
    }) : () -> ()
    %barrier3A = arith.constant 0 : index
    tpu.barrier barrier_id(%barrier3A)
    %mul3A_9 = arith.constant 200000 : i32
    %mul3A_10 = arith.muli %add3A, %mul3A_9 : i32
    %add3A_11 = arith.constant 0 : i32
    %add3A_12 = arith.addi %mul3A_10, %add3A_11 : i32
    %dma_start3A = tpu.memref_slice %arg5[%add3A_12] : memref<6400000xi32, #tpu.memory_space<hbm>> -> memref<2000xi32, #tpu.memory_space<hbm>>
    %dma_start3A_13 = tpu.memref_slice %arg5[%add3A_12] : memref<6400000xi32, #tpu.memory_space<hbm>> -> memref<2000xi32, #tpu.memory_space<hbm>>
    tpu.enqueue_dma source(%dma_start3A_13 : memref<2000xi32, #tpu.memory_space<hbm>>) target(%arg12 : memref<2000xi32, #tpu.memory_space<vmem>>) target_semaphore(%arg37 : memref<!tpu.dma_semaphore, #tpu.memory_space<semaphore_mem>>)
    %dma_start3A_14 = tpu.memref_slice %arg6[%add3A_12] : memref<6400000xi32, #tpu.memory_space<hbm>> -> memref<2000xi32, #tpu.memory_space<hbm>>
    %dma_start3A_15 = tpu.memref_slice %arg6[%add3A_12] : memref<6400000xi32, #tpu.memory_space<hbm>> -> memref<2000xi32, #tpu.memory_space<hbm>>
    tpu.enqueue_dma source(%dma_start3A_15 : memref<2000xi32, #tpu.memory_space<hbm>>) target(%arg13 : memref<2000xi32, #tpu.memory_space<vmem>>) target_semaphore(%arg37 : memref<!tpu.dma_semaphore, #tpu.memory_space<semaphore_mem>>)
    %dma_wait3A = arith.constant 0 : i32
    %dma_wait3A_16 = tpu.memref_slice %arg5[%dma_wait3A] : memref<6400000xi32, #tpu.memory_space<hbm>> -> memref<2000xi32, #tpu.memory_space<hbm>>
    %dma_wait3A_17 = arith.constant 0 : i32
    %dma_wait3A_18 = tpu.memref_slice %arg5[%dma_wait3A_17] : memref<6400000xi32, #tpu.memory_space<hbm>> -> memref<2000xi32, #tpu.memory_space<hbm>>
    tpu.wait_dma2 semaphore(%arg37 : memref<!tpu.dma_semaphore, #tpu.memory_space<semaphore_mem>>) src(%dma_wait3A_18 : memref<2000xi32, #tpu.memory_space<hbm>>) dst(%arg12 : memref<2000xi32, #tpu.memory_space<vmem>>)
    %dma_wait3A_19 = arith.constant 0 : i32
    %dma_wait3A_20 = tpu.memref_slice %arg6[%dma_wait3A_19] : memref<6400000xi32, #tpu.memory_space<hbm>> -> memref<2000xi32, #tpu.memory_space<hbm>>
    %dma_wait3A_21 = arith.constant 0 : i32
    %dma_wait3A_22 = tpu.memref_slice %arg6[%dma_wait3A_21] : memref<6400000xi32, #tpu.memory_space<hbm>> -> memref<2000xi32, #tpu.memory_space<hbm>>
    tpu.wait_dma2 semaphore(%arg37 : memref<!tpu.dma_semaphore, #tpu.memory_space<semaphore_mem>>) src(%dma_wait3A_22 : memref<2000xi32, #tpu.memory_space<hbm>>) dst(%arg13 : memref<2000xi32, #tpu.memory_space<vmem>>)
    %dma_start3A_23 = arith.constant 0 : i32
    %dma_start3A_24 = tpu.memref_slice %arg42[%dma_start3A_23] : memref<100096xf32, #tpu.memory_space<vmem_shared>> -> memref<100096xf32, #tpu.memory_space<vmem_shared>>
    tpu.enqueue_indirect_dma source(%dma_start3A_24 : memref<100096xf32, #tpu.memory_space<vmem_shared>>) target(%arg16 : memref<2000xf32, #tpu.memory_space<vmem>>) offsets(%arg12 : memref<2000xi32, #tpu.memory_space<vmem>>) semaphore(%arg39 : memref<!tpu.dma_semaphore, #tpu.memory_space<semaphore_mem>>)
    %dma_start3A_25 = arith.constant 0 : i32
    %dma_start3A_26 = tpu.memref_slice %arg43[%dma_start3A_25] : memref<100096xf32, #tpu.memory_space<vmem_shared>> -> memref<100096xf32, #tpu.memory_space<vmem_shared>>
    tpu.enqueue_indirect_dma source(%dma_start3A_26 : memref<100096xf32, #tpu.memory_space<vmem_shared>>) target(%arg17 : memref<2000xf32, #tpu.memory_space<vmem>>) offsets(%arg12 : memref<2000xi32, #tpu.memory_space<vmem>>) semaphore(%arg39 : memref<!tpu.dma_semaphore, #tpu.memory_space<semaphore_mem>>)
    %dma_start3A_27 = arith.constant 0 : i32
    %dma_start3A_28 = tpu.memref_slice %arg44[%dma_start3A_27] : memref<100096xf32, #tpu.memory_space<vmem_shared>> -> memref<100096xf32, #tpu.memory_space<vmem_shared>>
    tpu.enqueue_indirect_dma source(%dma_start3A_28 : memref<100096xf32, #tpu.memory_space<vmem_shared>>) target(%arg18 : memref<2000xf32, #tpu.memory_space<vmem>>) offsets(%arg12 : memref<2000xi32, #tpu.memory_space<vmem>>) semaphore(%arg39 : memref<!tpu.dma_semaphore, #tpu.memory_space<semaphore_mem>>)
    %dma_start3A_29 = arith.constant 0 : i32
    %dma_start3A_30 = tpu.memref_slice %arg42[%dma_start3A_29] : memref<100096xf32, #tpu.memory_space<vmem_shared>> -> memref<100096xf32, #tpu.memory_space<vmem_shared>>
    tpu.enqueue_indirect_dma source(%dma_start3A_30 : memref<100096xf32, #tpu.memory_space<vmem_shared>>) target(%arg19 : memref<2000xf32, #tpu.memory_space<vmem>>) offsets(%arg13 : memref<2000xi32, #tpu.memory_space<vmem>>) semaphore(%arg39 : memref<!tpu.dma_semaphore, #tpu.memory_space<semaphore_mem>>)
    %dma_start3A_31 = arith.constant 0 : i32
    %dma_start3A_32 = tpu.memref_slice %arg43[%dma_start3A_31] : memref<100096xf32, #tpu.memory_space<vmem_shared>> -> memref<100096xf32, #tpu.memory_space<vmem_shared>>
    tpu.enqueue_indirect_dma source(%dma_start3A_32 : memref<100096xf32, #tpu.memory_space<vmem_shared>>) target(%arg20 : memref<2000xf32, #tpu.memory_space<vmem>>) offsets(%arg13 : memref<2000xi32, #tpu.memory_space<vmem>>) semaphore(%arg39 : memref<!tpu.dma_semaphore, #tpu.memory_space<semaphore_mem>>)
    %dma_start3A_33 = arith.constant 0 : i32
    %dma_start3A_34 = tpu.memref_slice %arg44[%dma_start3A_33] : memref<100096xf32, #tpu.memory_space<vmem_shared>> -> memref<100096xf32, #tpu.memory_space<vmem_shared>>
    tpu.enqueue_indirect_dma source(%dma_start3A_34 : memref<100096xf32, #tpu.memory_space<vmem_shared>>) target(%arg21 : memref<2000xf32, #tpu.memory_space<vmem>>) offsets(%arg13 : memref<2000xi32, #tpu.memory_space<vmem>>) semaphore(%arg39 : memref<!tpu.dma_semaphore, #tpu.memory_space<semaphore_mem>>)
    %broadcast_in_dim3A = arith.constant 0.000000e+00 : f32
    %broadcast_in_dim3A_35 = vector.broadcast %broadcast_in_dim3A : f32 to vector<16xf32>
    %scan3A_36 = arith.constant 0 : i32
    %scan3A_37 = arith.constant 50 : i32
    %scan3A_38 = arith.addi %scan3A_36, %scan3A_37 : i32
    %scan3A_39 = arith.constant 1 : i32
    %scan3A_40 = scf.for %scan3A_51 = %scan3A_36 to %scan3A_38 step %scan3A_39 iter_args(%scan3A_52 = %broadcast_in_dim3A_35) -> (vector<16xf32>)  : i32 {
      %mul3A_53 = arith.constant 2 : i32
      %mul3A_54 = arith.muli %mul3A_53, %scan3A_51 : i32
      %dma_wait3A_55 = arith.constant 0 : i32
      %dma_wait3A_56 = tpu.memref_slice %arg42[%dma_wait3A_55] : memref<100096xf32, #tpu.memory_space<vmem_shared>> -> memref<100096xf32, #tpu.memory_space<vmem_shared>>
      tpu.wait_indirect_dma semaphore(%arg39 : memref<!tpu.dma_semaphore, #tpu.memory_space<semaphore_mem>>) src(%dma_wait3A_56 : memref<100096xf32, #tpu.memory_space<vmem_shared>>) dst(%arg16 : memref<2000xf32, #tpu.memory_space<vmem>>)
      %dma_wait3A_57 = arith.constant 0 : i32
      %dma_wait3A_58 = tpu.memref_slice %arg43[%dma_wait3A_57] : memref<100096xf32, #tpu.memory_space<vmem_shared>> -> memref<100096xf32, #tpu.memory_space<vmem_shared>>
      tpu.wait_indirect_dma semaphore(%arg39 : memref<!tpu.dma_semaphore, #tpu.memory_space<semaphore_mem>>) src(%dma_wait3A_58 : memref<100096xf32, #tpu.memory_space<vmem_shared>>) dst(%arg17 : memref<2000xf32, #tpu.memory_space<vmem>>)
      %dma_wait3A_59 = arith.constant 0 : i32
      %dma_wait3A_60 = tpu.memref_slice %arg44[%dma_wait3A_59] : memref<100096xf32, #tpu.memory_space<vmem_shared>> -> memref<100096xf32, #tpu.memory_space<vmem_shared>>
      tpu.wait_indirect_dma semaphore(%arg39 : memref<!tpu.dma_semaphore, #tpu.memory_space<semaphore_mem>>) src(%dma_wait3A_60 : memref<100096xf32, #tpu.memory_space<vmem_shared>>) dst(%arg18 : memref<2000xf32, #tpu.memory_space<vmem>>)
      %dma_wait3A_61 = arith.constant 0 : i32
      %dma_wait3A_62 = tpu.memref_slice %arg42[%dma_wait3A_61] : memref<100096xf32, #tpu.memory_space<vmem_shared>> -> memref<100096xf32, #tpu.memory_space<vmem_shared>>
      tpu.wait_indirect_dma semaphore(%arg39 : memref<!tpu.dma_semaphore, #tpu.memory_space<semaphore_mem>>) src(%dma_wait3A_62 : memref<100096xf32, #tpu.memory_space<vmem_shared>>) dst(%arg19 : memref<2000xf32, #tpu.memory_space<vmem>>)
      %dma_wait3A_63 = arith.constant 0 : i32
      %dma_wait3A_64 = tpu.memref_slice %arg43[%dma_wait3A_63] : memref<100096xf32, #tpu.memory_space<vmem_shared>> -> memref<100096xf32, #tpu.memory_space<vmem_shared>>
      tpu.wait_indirect_dma semaphore(%arg39 : memref<!tpu.dma_semaphore, #tpu.memory_space<semaphore_mem>>) src(%dma_wait3A_64 : memref<100096xf32, #tpu.memory_space<vmem_shared>>) dst(%arg20 : memref<2000xf32, #tpu.memory_space<vmem>>)
      %dma_wait3A_65 = arith.constant 0 : i32
      %dma_wait3A_66 = tpu.memref_slice %arg44[%dma_wait3A_65] : memref<100096xf32, #tpu.memory_space<vmem_shared>> -> memref<100096xf32, #tpu.memory_space<vmem_shared>>
      tpu.wait_indirect_dma semaphore(%arg39 : memref<!tpu.dma_semaphore, #tpu.memory_space<semaphore_mem>>) src(%dma_wait3A_66 : memref<100096xf32, #tpu.memory_space<vmem_shared>>) dst(%arg21 : memref<2000xf32, #tpu.memory_space<vmem>>)
      %add3A_67 = arith.constant 1 : i32
      %add3A_68 = arith.addi %mul3A_54, %add3A_67 : i32
      %lt3A = arith.constant 100 : i32
      %lt3A_69 = arith.cmpi slt, %add3A_68, %lt3A : i32
      %convert_element_type3A = arith.extui %lt3A_69 : i1 to i32
      %cond3A = arith.constant 0 : i32
      %cond3A_70 = arith.cmpi ne, %convert_element_type3A, %cond3A : i32
      scf.if %cond3A_70 {
        %add3A_170 = arith.constant 1 : i32
        %add3A_171 = arith.addi %mul3A_54, %add3A_170 : i32
        %mul3A_172 = arith.constant 2000 : i32
        %mul3A_173 = arith.muli %add3A_171, %mul3A_172 : i32
        %add3A_174 = arith.addi %mul3A_10, %mul3A_173 : i32
        %dma_start3A_175 = tpu.memref_slice %arg5[%add3A_174] : memref<6400000xi32, #tpu.memory_space<hbm>> -> memref<2000xi32, #tpu.memory_space<hbm>>
        %dma_start3A_176 = tpu.memref_slice %arg5[%add3A_174] : memref<6400000xi32, #tpu.memory_space<hbm>> -> memref<2000xi32, #tpu.memory_space<hbm>>
        tpu.enqueue_dma source(%dma_start3A_176 : memref<2000xi32, #tpu.memory_space<hbm>>) target(%arg14 : memref<2000xi32, #tpu.memory_space<vmem>>) target_semaphore(%arg38 : memref<!tpu.dma_semaphore, #tpu.memory_space<semaphore_mem>>)
        %dma_start3A_177 = tpu.memref_slice %arg6[%add3A_174] : memref<6400000xi32, #tpu.memory_space<hbm>> -> memref<2000xi32, #tpu.memory_space<hbm>>
        %dma_start3A_178 = tpu.memref_slice %arg6[%add3A_174] : memref<6400000xi32, #tpu.memory_space<hbm>> -> memref<2000xi32, #tpu.memory_space<hbm>>
        tpu.enqueue_dma source(%dma_start3A_178 : memref<2000xi32, #tpu.memory_space<hbm>>) target(%arg15 : memref<2000xi32, #tpu.memory_space<vmem>>) target_semaphore(%arg38 : memref<!tpu.dma_semaphore, #tpu.memory_space<semaphore_mem>>)
        %dma_wait3A_179 = arith.constant 0 : i32
        %dma_wait3A_180 = tpu.memref_slice %arg5[%dma_wait3A_179] : memref<6400000xi32, #tpu.memory_space<hbm>> -> memref<2000xi32, #tpu.memory_space<hbm>>
        %dma_wait3A_181 = arith.constant 0 : i32
        %dma_wait3A_182 = tpu.memref_slice %arg5[%dma_wait3A_181] : memref<6400000xi32, #tpu.memory_space<hbm>> -> memref<2000xi32, #tpu.memory_space<hbm>>
        tpu.wait_dma2 semaphore(%arg38 : memref<!tpu.dma_semaphore, #tpu.memory_space<semaphore_mem>>) src(%dma_wait3A_182 : memref<2000xi32, #tpu.memory_space<hbm>>) dst(%arg14 : memref<2000xi32, #tpu.memory_space<vmem>>)
        %dma_wait3A_183 = arith.constant 0 : i32
        %dma_wait3A_184 = tpu.memref_slice %arg6[%dma_wait3A_183] : memref<6400000xi32, #tpu.memory_space<hbm>> -> memref<2000xi32, #tpu.memory_space<hbm>>
        %dma_wait3A_185 = arith.constant 0 : i32
        %dma_wait3A_186 = tpu.memref_slice %arg6[%dma_wait3A_185] : memref<6400000xi32, #tpu.memory_space<hbm>> -> memref<2000xi32, #tpu.memory_space<hbm>>
        tpu.wait_dma2 semaphore(%arg38 : memref<!tpu.dma_semaphore, #tpu.memory_space<semaphore_mem>>) src(%dma_wait3A_186 : memref<2000xi32, #tpu.memory_space<hbm>>) dst(%arg15 : memref<2000xi32, #tpu.memory_space<vmem>>)
        %dma_start3A_187 = arith.constant 0 : i32
        %dma_start3A_188 = tpu.memref_slice %arg42[%dma_start3A_187] : memref<100096xf32, #tpu.memory_space<vmem_shared>> -> memref<100096xf32, #tpu.memory_space<vmem_shared>>
        tpu.enqueue_indirect_dma source(%dma_start3A_188 : memref<100096xf32, #tpu.memory_space<vmem_shared>>) target(%arg22 : memref<2000xf32, #tpu.memory_space<vmem>>) offsets(%arg14 : memref<2000xi32, #tpu.memory_space<vmem>>) semaphore(%arg40 : memref<!tpu.dma_semaphore, #tpu.memory_space<semaphore_mem>>)
        %dma_start3A_189 = arith.constant 0 : i32
        %dma_start3A_190 = tpu.memref_slice %arg43[%dma_start3A_189] : memref<100096xf32, #tpu.memory_space<vmem_shared>> -> memref<100096xf32, #tpu.memory_space<vmem_shared>>
        tpu.enqueue_indirect_dma source(%dma_start3A_190 : memref<100096xf32, #tpu.memory_space<vmem_shared>>) target(%arg23 : memref<2000xf32, #tpu.memory_space<vmem>>) offsets(%arg14 : memref<2000xi32, #tpu.memory_space<vmem>>) semaphore(%arg40 : memref<!tpu.dma_semaphore, #tpu.memory_space<semaphore_mem>>)
        %dma_start3A_191 = arith.constant 0 : i32
        %dma_start3A_192 = tpu.memref_slice %arg44[%dma_start3A_191] : memref<100096xf32, #tpu.memory_space<vmem_shared>> -> memref<100096xf32, #tpu.memory_space<vmem_shared>>
        tpu.enqueue_indirect_dma source(%dma_start3A_192 : memref<100096xf32, #tpu.memory_space<vmem_shared>>) target(%arg24 : memref<2000xf32, #tpu.memory_space<vmem>>) offsets(%arg14 : memref<2000xi32, #tpu.memory_space<vmem>>) semaphore(%arg40 : memref<!tpu.dma_semaphore, #tpu.memory_space<semaphore_mem>>)
        %dma_start3A_193 = arith.constant 0 : i32
        %dma_start3A_194 = tpu.memref_slice %arg42[%dma_start3A_193] : memref<100096xf32, #tpu.memory_space<vmem_shared>> -> memref<100096xf32, #tpu.memory_space<vmem_shared>>
        tpu.enqueue_indirect_dma source(%dma_start3A_194 : memref<100096xf32, #tpu.memory_space<vmem_shared>>) target(%arg25 : memref<2000xf32, #tpu.memory_space<vmem>>) offsets(%arg15 : memref<2000xi32, #tpu.memory_space<vmem>>) semaphore(%arg40 : memref<!tpu.dma_semaphore, #tpu.memory_space<semaphore_mem>>)
        %dma_start3A_195 = arith.constant 0 : i32
        %dma_start3A_196 = tpu.memref_slice %arg43[%dma_start3A_195] : memref<100096xf32, #tpu.memory_space<vmem_shared>> -> memref<100096xf32, #tpu.memory_space<vmem_shared>>
        tpu.enqueue_indirect_dma source(%dma_start3A_196 : memref<100096xf32, #tpu.memory_space<vmem_shared>>) target(%arg26 : memref<2000xf32, #tpu.memory_space<vmem>>) offsets(%arg15 : memref<2000xi32, #tpu.memory_space<vmem>>) semaphore(%arg40 : memref<!tpu.dma_semaphore, #tpu.memory_space<semaphore_mem>>)
        %dma_start3A_197 = arith.constant 0 : i32
        %dma_start3A_198 = tpu.memref_slice %arg44[%dma_start3A_197] : memref<100096xf32, #tpu.memory_space<vmem_shared>> -> memref<100096xf32, #tpu.memory_space<vmem_shared>>
        tpu.enqueue_indirect_dma source(%dma_start3A_198 : memref<100096xf32, #tpu.memory_space<vmem_shared>>) target(%arg27 : memref<2000xf32, #tpu.memory_space<vmem>>) offsets(%arg15 : memref<2000xi32, #tpu.memory_space<vmem>>) semaphore(%arg40 : memref<!tpu.dma_semaphore, #tpu.memory_space<semaphore_mem>>)
      } else {
      }
      %scan3A_71 = arith.constant 0 : i32
      %scan3A_72 = arith.constant 125 : i32
      %scan3A_73 = arith.addi %scan3A_71, %scan3A_72 : i32
      %scan3A_74 = arith.constant 1 : i32
      %scan3A_75 = scf.for %scan3A_170 = %scan3A_71 to %scan3A_73 step %scan3A_74 iter_args(%scan3A_171 = %scan3A_52) -> (vector<16xf32>)  : i32 {
        %mul3A_172 = arith.constant 16 : i32
        %mul3A_173 = arith.muli %scan3A_170, %mul3A_172 : i32
        %get3A = arith.index_cast %mul3A_173 : i32 to index
        %get3A_174 = tpu.vector_load %arg19[%get3A] {strides = array<i32>} : memref<2000xf32, #tpu.memory_space<vmem>>, vector<16xf32>,
        %get3A_175 = vector.shape_cast %get3A_174 : vector<16xf32> to vector<16xf32>
        %get3A_176 = arith.index_cast %mul3A_173 : i32 to index
        %get3A_177 = tpu.vector_load %arg16[%get3A_176] {strides = array<i32>} : memref<2000xf32, #tpu.memory_space<vmem>>, vector<16xf32>,
        %get3A_178 = vector.shape_cast %get3A_177 : vector<16xf32> to vector<16xf32>
        %sub3A = arith.subf %get3A_175, %get3A_178 : vector<16xf32>
        %get3A_179 = arith.index_cast %mul3A_173 : i32 to index
        %get3A_180 = tpu.vector_load %arg20[%get3A_179] {strides = array<i32>} : memref<2000xf32, #tpu.memory_space<vmem>>, vector<16xf32>,
        %get3A_181 = vector.shape_cast %get3A_180 : vector<16xf32> to vector<16xf32>
        %get3A_182 = arith.index_cast %mul3A_173 : i32 to index
        %get3A_183 = tpu.vector_load %arg17[%get3A_182] {strides = array<i32>} : memref<2000xf32, #tpu.memory_space<vmem>>, vector<16xf32>,
        %get3A_184 = vector.shape_cast %get3A_183 : vector<16xf32> to vector<16xf32>
        %sub3A_185 = arith.subf %get3A_181, %get3A_184 : vector<16xf32>
        %get3A_186 = arith.index_cast %mul3A_173 : i32 to index
        %get3A_187 = tpu.vector_load %arg21[%get3A_186] {strides = array<i32>} : memref<2000xf32, #tpu.memory_space<vmem>>, vector<16xf32>,
        %get3A_188 = vector.shape_cast %get3A_187 : vector<16xf32> to vector<16xf32>
        %get3A_189 = arith.index_cast %mul3A_173 : i32 to index
        %get3A_190 = tpu.vector_load %arg18[%get3A_189] {strides = array<i32>} : memref<2000xf32, #tpu.memory_space<vmem>>, vector<16xf32>,
        %get3A_191 = vector.shape_cast %get3A_190 : vector<16xf32> to vector<16xf32>
        %sub3A_192 = arith.subf %get3A_188, %get3A_191 : vector<16xf32>
        %mul3A_193 = arith.mulf %sub3A, %sub3A : vector<16xf32>
        %mul3A_194 = arith.mulf %sub3A_185, %sub3A_185 : vector<16xf32>
        %add3A_195 = arith.addf %mul3A_193, %mul3A_194 : vector<16xf32>
        %mul3A_196 = arith.mulf %sub3A_192, %sub3A_192 : vector<16xf32>
        %add3A_197 = arith.addf %add3A_195, %mul3A_196 : vector<16xf32>
        %gt3A = arith.constant 0.000000e+00 : f32
        %gt3A_198 = vector.broadcast %gt3A : f32 to vector<16xf32>
        %gt3A_199 = arith.cmpf ogt, %add3A_197, %gt3A_198 : vector<16xf32>
        %bitcast_convert_type3A = tpu.bitcast %add3A_197 : vector<16xf32> -> vector<16xi32>
        %shift_right_arithmetic3A = arith.constant 1 : i32
        %shift_right_arithmetic3A_200 = vector.broadcast %shift_right_arithmetic3A : i32 to vector<16xi32>
        %shift_right_arithmetic3A_201 = arith.shrsi %bitcast_convert_type3A, %shift_right_arithmetic3A_200 : vector<16xi32>
        %sub3A_202 = arith.constant 1597463007 : i32
        %sub3A_203 = vector.broadcast %sub3A_202 : i32 to vector<16xi32>
        %sub3A_204 = arith.subi %sub3A_203, %shift_right_arithmetic3A_201 : vector<16xi32>
        %bitcast_convert_type3A_205 = tpu.bitcast %sub3A_204 : vector<16xi32> -> vector<16xf32>
        %mul3A_206 = arith.constant 5.000000e-01 : f32
        %mul3A_207 = vector.broadcast %mul3A_206 : f32 to vector<16xf32>
        %mul3A_208 = arith.mulf %mul3A_207, %add3A_197 : vector<16xf32>
        %mul3A_209 = arith.mulf %mul3A_208, %bitcast_convert_type3A_205 : vector<16xf32>
        %mul3A_210 = arith.mulf %mul3A_209, %bitcast_convert_type3A_205 : vector<16xf32>
        %sub3A_211 = arith.constant 1.500000e+00 : f32
        %sub3A_212 = vector.broadcast %sub3A_211 : f32 to vector<16xf32>
        %sub3A_213 = arith.subf %sub3A_212, %mul3A_210 : vector<16xf32>
        %mul3A_214 = arith.mulf %bitcast_convert_type3A_205, %sub3A_213 : vector<16xf32>
        %mul3A_215 = arith.constant 5.000000e-01 : f32
        %mul3A_216 = vector.broadcast %mul3A_215 : f32 to vector<16xf32>
        %mul3A_217 = arith.mulf %mul3A_216, %add3A_197 : vector<16xf32>
        %mul3A_218 = arith.mulf %mul3A_217, %mul3A_214 : vector<16xf32>
        %mul3A_219 = arith.mulf %mul3A_218, %mul3A_214 : vector<16xf32>
        %sub3A_220 = arith.constant 1.500000e+00 : f32
        %sub3A_221 = vector.broadcast %sub3A_220 : f32 to vector<16xf32>
        %sub3A_222 = arith.subf %sub3A_221, %mul3A_219 : vector<16xf32>
        %mul3A_223 = arith.mulf %mul3A_214, %sub3A_222 : vector<16xf32>
        %mul3A_224 = arith.constant 5.000000e-01 : f32
        %mul3A_225 = vector.broadcast %mul3A_224 : f32 to vector<16xf32>
        %mul3A_226 = arith.mulf %mul3A_225, %add3A_197 : vector<16xf32>
        %mul3A_227 = arith.mulf %mul3A_226, %mul3A_223 : vector<16xf32>
        %mul3A_228 = arith.mulf %mul3A_227, %mul3A_223 : vector<16xf32>
        %sub3A_229 = arith.constant 1.500000e+00 : f32
        %sub3A_230 = vector.broadcast %sub3A_229 : f32 to vector<16xf32>
        %sub3A_231 = arith.subf %sub3A_230, %mul3A_228 : vector<16xf32>
        %mul3A_232 = arith.mulf %mul3A_223, %sub3A_231 : vector<16xf32>
        %mul3A_233 = arith.mulf %add3A_197, %mul3A_232 : vector<16xf32>
        %jit3A = arith.constant 0.000000e+00 : f32
        %broadcast_in_dim3A_234 = vector.broadcast %jit3A : f32 to vector<16xf32>
        %select_n3A = arith.select %gt3A_199, %mul3A_233, %broadcast_in_dim3A_234 : vector<16xi1>, vector<16xf32>
        %sub3A_235 = arith.constant 1.000000e+00 : f32
        %sub3A_236 = vector.broadcast %sub3A_235 : f32 to vector<16xf32>
        %sub3A_237 = arith.subf %select_n3A, %sub3A_236 : vector<16xf32>
        %mul3A_238 = arith.constant -5.000000e+00 : f32
        %mul3A_239 = vector.broadcast %mul3A_238 : f32 to vector<16xf32>
        %mul3A_240 = arith.mulf %mul3A_239, %sub3A_237 : vector<16xf32>
        %exp3A = math.exp %mul3A_240 : vector<16xf32>
        %sub3A_241 = arith.constant 1.000000e+00 : f32
        %sub3A_242 = vector.broadcast %sub3A_241 : f32 to vector<16xf32>
        %sub3A_243 = arith.subf %sub3A_242, %exp3A : vector<16xf32>
        %lt3A_244 = arith.constant 2.500000e+00 : f32
        %lt3A_245 = vector.broadcast %lt3A_244 : f32 to vector<16xf32>
        %lt3A_246 = arith.cmpf olt, %select_n3A, %lt3A_245 : vector<16xf32>
        %and3A = arith.andi %gt3A_199, %lt3A_246 : vector<16xi1>
        %mul3A_247 = arith.constant 5.000000e+00 : f32
        %mul3A_248 = vector.broadcast %mul3A_247 : f32 to vector<16xf32>
        %mul3A_249 = arith.mulf %mul3A_248, %sub3A_243 : vector<16xf32>
        %mul3A_250 = arith.mulf %mul3A_249, %sub3A_243 : vector<16xf32>
        %sub3A_251 = arith.constant 5.000000e+00 : f32
        %sub3A_252 = vector.broadcast %sub3A_251 : f32 to vector<16xf32>
        %sub3A_253 = arith.subf %mul3A_250, %sub3A_252 : vector<16xf32>
        %jit3A_254 = arith.constant 0.000000e+00 : f32
        %broadcast_in_dim3A_255 = vector.broadcast %jit3A_254 : f32 to vector<16xf32>
        %select_n3A_256 = arith.select %and3A, %sub3A_253, %broadcast_in_dim3A_255 : vector<16xi1>, vector<16xf32>
        %mul3A_257 = arith.constant -5.000000e+01 : f32
        %mul3A_258 = vector.broadcast %mul3A_257 : f32 to vector<16xf32>
        %mul3A_259 = arith.mulf %mul3A_258, %exp3A : vector<16xf32>
        %mul3A_260 = arith.mulf %mul3A_259, %sub3A_243 : vector<16xf32>
        %jit3A_261 = arith.constant 0.000000e+00 : f32
        %broadcast_in_dim3A_262 = vector.broadcast %jit3A_261 : f32 to vector<16xf32>
        %select_n3A_263 = arith.select %and3A, %mul3A_260, %broadcast_in_dim3A_262 : vector<16xi1>, vector<16xf32>
        %mul3A_264 = arith.mulf %select_n3A_263, %mul3A_232 : vector<16xf32>
        %mul3A_265 = arith.mulf %mul3A_264, %sub3A : vector<16xf32>
        %mul3A_266 = arith.mulf %mul3A_264, %sub3A_185 : vector<16xf32>
        %mul3A_267 = arith.mulf %mul3A_264, %sub3A_192 : vector<16xf32>
        %mul3A_268 = arith.constant 5.000000e-01 : f32
        %mul3A_269 = vector.broadcast %mul3A_268 : f32 to vector<16xf32>
        %mul3A_270 = arith.mulf %mul3A_269, %select_n3A_256 : vector<16xf32>
        %swap3A_271 = arith.index_cast %mul3A_173 : i32 to index
        %swap3A_272 = tpu.vector_load %arg28[%swap3A_271] {strides = array<i32>} : memref<2000xf32, #tpu.memory_space<vmem>>, vector<16xf32>,
        %swap3A_273 = vector.shape_cast %swap3A_272 : vector<16xf32> to vector<16xf32>
        %swap3A_274 = vector.shape_cast %mul3A_270 : vector<16xf32> to vector<16xf32>
        tpu.vector_store %arg28[%swap3A_271], %swap3A_274 {strides = array<i32>} : memref<2000xf32, #tpu.memory_space<vmem>>, vector<16xf32>,
        %neg3A = arith.constant 0.000000e+00 : f32
        %neg3A_275 = vector.broadcast %neg3A : f32 to vector<16xf32>
        %neg3A_276 = arith.subf %neg3A_275, %mul3A_265 : vector<16xf32>
        %swap3A_277 = arith.index_cast %mul3A_173 : i32 to index
        %swap3A_278 = tpu.vector_load %arg29[%swap3A_277] {strides = array<i32>} : memref<2000xf32, #tpu.memory_space<vmem>>, vector<16xf32>,
        %swap3A_279 = vector.shape_cast %swap3A_278 : vector<16xf32> to vector<16xf32>
        %swap3A_280 = vector.shape_cast %neg3A_276 : vector<16xf32> to vector<16xf32>
        tpu.vector_store %arg29[%swap3A_277], %swap3A_280 {strides = array<i32>} : memref<2000xf32, #tpu.memory_space<vmem>>, vector<16xf32>,
        %neg3A_281 = arith.constant 0.000000e+00 : f32
        %neg3A_282 = vector.broadcast %neg3A_281 : f32 to vector<16xf32>
        %neg3A_283 = arith.subf %neg3A_282, %mul3A_266 : vector<16xf32>
        %swap3A_284 = arith.index_cast %mul3A_173 : i32 to index
        %swap3A_285 = tpu.vector_load %arg30[%swap3A_284] {strides = array<i32>} : memref<2000xf32, #tpu.memory_space<vmem>>, vector<16xf32>,
        %swap3A_286 = vector.shape_cast %swap3A_285 : vector<16xf32> to vector<16xf32>
        %swap3A_287 = vector.shape_cast %neg3A_283 : vector<16xf32> to vector<16xf32>
        tpu.vector_store %arg30[%swap3A_284], %swap3A_287 {strides = array<i32>} : memref<2000xf32, #tpu.memory_space<vmem>>, vector<16xf32>,
        %neg3A_288 = arith.constant 0.000000e+00 : f32
        %neg3A_289 = vector.broadcast %neg3A_288 : f32 to vector<16xf32>
        %neg3A_290 = arith.subf %neg3A_289, %mul3A_267 : vector<16xf32>
        %swap3A_291 = arith.index_cast %mul3A_173 : i32 to index
        %swap3A_292 = tpu.vector_load %arg31[%swap3A_291] {strides = array<i32>} : memref<2000xf32, #tpu.memory_space<vmem>>, vector<16xf32>,
        %swap3A_293 = vector.shape_cast %swap3A_292 : vector<16xf32> to vector<16xf32>
        %swap3A_294 = vector.shape_cast %neg3A_290 : vector<16xf32> to vector<16xf32>
        tpu.vector_store %arg31[%swap3A_291], %swap3A_294 {strides = array<i32>} : memref<2000xf32, #tpu.memory_space<vmem>>, vector<16xf32>,
        %swap3A_295 = arith.index_cast %mul3A_173 : i32 to index
        %swap3A_296 = tpu.vector_load %arg32[%swap3A_295] {strides = array<i32>} : memref<2000xf32, #tpu.memory_space<vmem>>, vector<16xf32>,
        %swap3A_297 = vector.shape_cast %swap3A_296 : vector<16xf32> to vector<16xf32>
        %swap3A_298 = vector.shape_cast %mul3A_265 : vector<16xf32> to vector<16xf32>
        tpu.vector_store %arg32[%swap3A_295], %swap3A_298 {strides = array<i32>} : memref<2000xf32, #tpu.memory_space<vmem>>, vector<16xf32>,
        %swap3A_299 = arith.index_cast %mul3A_173 : i32 to index
        %swap3A_300 = tpu.vector_load %arg33[%swap3A_299] {strides = array<i32>} : memref<2000xf32, #tpu.memory_space<vmem>>, vector<16xf32>,
        %swap3A_301 = vector.shape_cast %swap3A_300 : vector<16xf32> to vector<16xf32>
        %swap3A_302 = vector.shape_cast %mul3A_266 : vector<16xf32> to vector<16xf32>
        tpu.vector_store %arg33[%swap3A_299], %swap3A_302 {strides = array<i32>} : memref<2000xf32, #tpu.memory_space<vmem>>, vector<16xf32>,
        %swap3A_303 = arith.index_cast %mul3A_173 : i32 to index
        %swap3A_304 = tpu.vector_load %arg34[%swap3A_303] {strides = array<i32>} : memref<2000xf32, #tpu.memory_space<vmem>>, vector<16xf32>,
        %swap3A_305 = vector.shape_cast %swap3A_304 : vector<16xf32> to vector<16xf32>
        %swap3A_306 = vector.shape_cast %mul3A_267 : vector<16xf32> to vector<16xf32>
        tpu.vector_store %arg34[%swap3A_303], %swap3A_306 {strides = array<i32>} : memref<2000xf32, #tpu.memory_space<vmem>>, vector<16xf32>,
        %add3A_307 = arith.addf %scan3A_171, %select_n3A_256 : vector<16xf32>
        scf.yield %add3A_307 : vector<16xf32>
      }
      %scan3A_76 = arith.constant 125 : i32
      %dma_start3A_77 = arith.constant 0 : i32
      %dma_start3A_78 = tpu.memref_slice %arg45[%dma_start3A_77] : memref<100096xf32, #tpu.memory_space<vmem_shared>> -> memref<100096xf32, #tpu.memory_space<vmem_shared>>
      tpu.enqueue_indirect_dma source(%arg28 : memref<2000xf32, #tpu.memory_space<vmem>>) target(%dma_start3A_78 : memref<100096xf32, #tpu.memory_space<vmem_shared>>) offsets(%arg12 : memref<2000xi32, #tpu.memory_space<vmem>>) semaphore(%arg41 : memref<!tpu.dma_semaphore, #tpu.memory_space<semaphore_mem>>) {add = true}
      %dma_start3A_79 = arith.constant 0 : i32
      %dma_start3A_80 = tpu.memref_slice %arg45[%dma_start3A_79] : memref<100096xf32, #tpu.memory_space<vmem_shared>> -> memref<100096xf32, #tpu.memory_space<vmem_shared>>
      tpu.enqueue_indirect_dma source(%arg28 : memref<2000xf32, #tpu.memory_space<vmem>>) target(%dma_start3A_80 : memref<100096xf32, #tpu.memory_space<vmem_shared>>) offsets(%arg13 : memref<2000xi32, #tpu.memory_space<vmem>>) semaphore(%arg41 : memref<!tpu.dma_semaphore, #tpu.memory_space<semaphore_mem>>) {add = true}
      %dma_start3A_81 = arith.constant 0 : i32
      %dma_start3A_82 = tpu.memref_slice %arg46[%dma_start3A_81] : memref<100096xf32, #tpu.memory_space<vmem_shared>> -> memref<100096xf32, #tpu.memory_space<vmem_shared>>
      tpu.enqueue_indirect_dma source(%arg29 : memref<2000xf32, #tpu.memory_space<vmem>>) target(%dma_start3A_82 : memref<100096xf32, #tpu.memory_space<vmem_shared>>) offsets(%arg12 : memref<2000xi32, #tpu.memory_space<vmem>>) semaphore(%arg41 : memref<!tpu.dma_semaphore, #tpu.memory_space<semaphore_mem>>) {add = true}
      %dma_start3A_83 = arith.constant 0 : i32
      %dma_start3A_84 = tpu.memref_slice %arg47[%dma_start3A_83] : memref<100096xf32, #tpu.memory_space<vmem_shared>> -> memref<100096xf32, #tpu.memory_space<vmem_shared>>
      tpu.enqueue_indirect_dma source(%arg30 : memref<2000xf32, #tpu.memory_space<vmem>>) target(%dma_start3A_84 : memref<100096xf32, #tpu.memory_space<vmem_shared>>) offsets(%arg12 : memref<2000xi32, #tpu.memory_space<vmem>>) semaphore(%arg41 : memref<!tpu.dma_semaphore, #tpu.memory_space<semaphore_mem>>) {add = true}
      %dma_start3A_85 = arith.constant 0 : i32
      %dma_start3A_86 = tpu.memref_slice %arg48[%dma_start3A_85] : memref<100096xf32, #tpu.memory_space<vmem_shared>> -> memref<100096xf32, #tpu.memory_space<vmem_shared>>
      tpu.enqueue_indirect_dma source(%arg31 : memref<2000xf32, #tpu.memory_space<vmem>>) target(%dma_start3A_86 : memref<100096xf32, #tpu.memory_space<vmem_shared>>) offsets(%arg12 : memref<2000xi32, #tpu.memory_space<vmem>>) semaphore(%arg41 : memref<!tpu.dma_semaphore, #tpu.memory_space<semaphore_mem>>) {add = true}
      %dma_start3A_87 = arith.constant 0 : i32
      %dma_start3A_88 = tpu.memref_slice %arg46[%dma_start3A_87] : memref<100096xf32, #tpu.memory_space<vmem_shared>> -> memref<100096xf32, #tpu.memory_space<vmem_shared>>
      tpu.enqueue_indirect_dma source(%arg32 : memref<2000xf32, #tpu.memory_space<vmem>>) target(%dma_start3A_88 : memref<100096xf32, #tpu.memory_space<vmem_shared>>) offsets(%arg13 : memref<2000xi32, #tpu.memory_space<vmem>>) semaphore(%arg41 : memref<!tpu.dma_semaphore, #tpu.memory_space<semaphore_mem>>) {add = true}
      %dma_start3A_89 = arith.constant 0 : i32
      %dma_start3A_90 = tpu.memref_slice %arg47[%dma_start3A_89] : memref<100096xf32, #tpu.memory_space<vmem_shared>> -> memref<100096xf32, #tpu.memory_space<vmem_shared>>
      tpu.enqueue_indirect_dma source(%arg33 : memref<2000xf32, #tpu.memory_space<vmem>>) target(%dma_start3A_90 : memref<100096xf32, #tpu.memory_space<vmem_shared>>) offsets(%arg13 : memref<2000xi32, #tpu.memory_space<vmem>>) semaphore(%arg41 : memref<!tpu.dma_semaphore, #tpu.memory_space<semaphore_mem>>) {add = true}
      %dma_start3A_91 = arith.constant 0 : i32
      %dma_start3A_92 = tpu.memref_slice %arg48[%dma_start3A_91] : memref<100096xf32, #tpu.memory_space<vmem_shared>> -> memref<100096xf32, #tpu.memory_space<vmem_shared>>
      tpu.enqueue_indirect_dma source(%arg34 : memref<2000xf32, #tpu.memory_space<vmem>>) target(%dma_start3A_92 : memref<100096xf32, #tpu.memory_space<vmem_shared>>) offsets(%arg13 : memref<2000xi32, #tpu.memory_space<vmem>>) semaphore(%arg41 : memref<!tpu.dma_semaphore, #tpu.memory_space<semaphore_mem>>) {add = true}
      %dma_wait3A_93 = arith.constant 0 : i32
      %dma_wait3A_94 = tpu.memref_slice %arg45[%dma_wait3A_93] : memref<100096xf32, #tpu.memory_space<vmem_shared>> -> memref<100096xf32, #tpu.memory_space<vmem_shared>>
      tpu.wait_indirect_dma semaphore(%arg41 : memref<!tpu.dma_semaphore, #tpu.memory_space<semaphore_mem>>) src(%arg28 : memref<2000xf32, #tpu.memory_space<vmem>>) dst(%dma_wait3A_94 : memref<100096xf32, #tpu.memory_space<vmem_shared>>)
      %dma_wait3A_95 = arith.constant 0 : i32
      %dma_wait3A_96 = tpu.memref_slice %arg45[%dma_wait3A_95] : memref<100096xf32, #tpu.memory_space<vmem_shared>> -> memref<100096xf32, #tpu.memory_space<vmem_shared>>
      tpu.wait_indirect_dma semaphore(%arg41 : memref<!tpu.dma_semaphore, #tpu.memory_space<semaphore_mem>>) src(%arg28 : memref<2000xf32, #tpu.memory_space<vmem>>) dst(%dma_wait3A_96 : memref<100096xf32, #tpu.memory_space<vmem_shared>>)
      %dma_wait3A_97 = arith.constant 0 : i32
      %dma_wait3A_98 = tpu.memref_slice %arg46[%dma_wait3A_97] : memref<100096xf32, #tpu.memory_space<vmem_shared>> -> memref<100096xf32, #tpu.memory_space<vmem_shared>>
      tpu.wait_indirect_dma semaphore(%arg41 : memref<!tpu.dma_semaphore, #tpu.memory_space<semaphore_mem>>) src(%arg29 : memref<2000xf32, #tpu.memory_space<vmem>>) dst(%dma_wait3A_98 : memref<100096xf32, #tpu.memory_space<vmem_shared>>)
      %dma_wait3A_99 = arith.constant 0 : i32
      %dma_wait3A_100 = tpu.memref_slice %arg47[%dma_wait3A_99] : memref<100096xf32, #tpu.memory_space<vmem_shared>> -> memref<100096xf32, #tpu.memory_space<vmem_shared>>
      tpu.wait_indirect_dma semaphore(%arg41 : memref<!tpu.dma_semaphore, #tpu.memory_space<semaphore_mem>>) src(%arg30 : memref<2000xf32, #tpu.memory_space<vmem>>) dst(%dma_wait3A_100 : memref<100096xf32, #tpu.memory_space<vmem_shared>>)
      %dma_wait3A_101 = arith.constant 0 : i32
      %dma_wait3A_102 = tpu.memref_slice %arg48[%dma_wait3A_101] : memref<100096xf32, #tpu.memory_space<vmem_shared>> -> memref<100096xf32, #tpu.memory_space<vmem_shared>>
      tpu.wait_indirect_dma semaphore(%arg41 : memref<!tpu.dma_semaphore, #tpu.memory_space<semaphore_mem>>) src(%arg31 : memref<2000xf32, #tpu.memory_space<vmem>>) dst(%dma_wait3A_102 : memref<100096xf32, #tpu.memory_space<vmem_shared>>)
      %dma_wait3A_103 = arith.constant 0 : i32
      %dma_wait3A_104 = tpu.memref_slice %arg46[%dma_wait3A_103] : memref<100096xf32, #tpu.memory_space<vmem_shared>> -> memref<100096xf32, #tpu.memory_space<vmem_shared>>
      tpu.wait_indirect_dma semaphore(%arg41 : memref<!tpu.dma_semaphore, #tpu.memory_space<semaphore_mem>>) src(%arg32 : memref<2000xf32, #tpu.memory_space<vmem>>) dst(%dma_wait3A_104 : memref<100096xf32, #tpu.memory_space<vmem_shared>>)
      %dma_wait3A_105 = arith.constant 0 : i32
      %dma_wait3A_106 = tpu.memref_slice %arg47[%dma_wait3A_105] : memref<100096xf32, #tpu.memory_space<vmem_shared>> -> memref<100096xf32, #tpu.memory_space<vmem_shared>>
      tpu.wait_indirect_dma semaphore(%arg41 : memref<!tpu.dma_semaphore, #tpu.memory_space<semaphore_mem>>) src(%arg33 : memref<2000xf32, #tpu.memory_space<vmem>>) dst(%dma_wait3A_106 : memref<100096xf32, #tpu.memory_space<vmem_shared>>)
      %dma_wait3A_107 = arith.constant 0 : i32
      %dma_wait3A_108 = tpu.memref_slice %arg48[%dma_wait3A_107] : memref<100096xf32, #tpu.memory_space<vmem_shared>> -> memref<100096xf32, #tpu.memory_space<vmem_shared>>
      tpu.wait_indirect_dma semaphore(%arg41 : memref<!tpu.dma_semaphore, #tpu.memory_space<semaphore_mem>>) src(%arg34 : memref<2000xf32, #tpu.memory_space<vmem>>) dst(%dma_wait3A_108 : memref<100096xf32, #tpu.memory_space<vmem_shared>>)
      %mul3A_109 = arith.constant 2 : i32
      %mul3A_110 = arith.muli %mul3A_109, %scan3A_51 : i32
      %add3A_111 = arith.constant 1 : i32
      %add3A_112 = arith.addi %mul3A_110, %add3A_111 : i32
      %dma_wait3A_113 = arith.constant 0 : i32
      %dma_wait3A_114 = tpu.memref_slice %arg42[%dma_wait3A_113] : memref<100096xf32, #tpu.memory_space<vmem_shared>> -> memref<100096xf32, #tpu.memory_space<vmem_shared>>
      tpu.wait_indirect_dma semaphore(%arg40 : memref<!tpu.dma_semaphore, #tpu.memory_space<semaphore_mem>>) src(%dma_wait3A_114 : memref<100096xf32, #tpu.memory_space<vmem_shared>>) dst(%arg22 : memref<2000xf32, #tpu.memory_space<vmem>>)
      %dma_wait3A_115 = arith.constant 0 : i32
      %dma_wait3A_116 = tpu.memref_slice %arg43[%dma_wait3A_115] : memref<100096xf32, #tpu.memory_space<vmem_shared>> -> memref<100096xf32, #tpu.memory_space<vmem_shared>>
      tpu.wait_indirect_dma semaphore(%arg40 : memref<!tpu.dma_semaphore, #tpu.memory_space<semaphore_mem>>) src(%dma_wait3A_116 : memref<100096xf32, #tpu.memory_space<vmem_shared>>) dst(%arg23 : memref<2000xf32, #tpu.memory_space<vmem>>)
      %dma_wait3A_117 = arith.constant 0 : i32
      %dma_wait3A_118 = tpu.memref_slice %arg44[%dma_wait3A_117] : memref<100096xf32, #tpu.memory_space<vmem_shared>> -> memref<100096xf32, #tpu.memory_space<vmem_shared>>
      tpu.wait_indirect_dma semaphore(%arg40 : memref<!tpu.dma_semaphore, #tpu.memory_space<semaphore_mem>>) src(%dma_wait3A_118 : memref<100096xf32, #tpu.memory_space<vmem_shared>>) dst(%arg24 : memref<2000xf32, #tpu.memory_space<vmem>>)
      %dma_wait3A_119 = arith.constant 0 : i32
      %dma_wait3A_120 = tpu.memref_slice %arg42[%dma_wait3A_119] : memref<100096xf32, #tpu.memory_space<vmem_shared>> -> memref<100096xf32, #tpu.memory_space<vmem_shared>>
      tpu.wait_indirect_dma semaphore(%arg40 : memref<!tpu.dma_semaphore, #tpu.memory_space<semaphore_mem>>) src(%dma_wait3A_120 : memref<100096xf32, #tpu.memory_space<vmem_shared>>) dst(%arg25 : memref<2000xf32, #tpu.memory_space<vmem>>)
      %dma_wait3A_121 = arith.constant 0 : i32
      %dma_wait3A_122 = tpu.memref_slice %arg43[%dma_wait3A_121] : memref<100096xf32, #tpu.memory_space<vmem_shared>> -> memref<100096xf32, #tpu.memory_space<vmem_shared>>
      tpu.wait_indirect_dma semaphore(%arg40 : memref<!tpu.dma_semaphore, #tpu.memory_space<semaphore_mem>>) src(%dma_wait3A_122 : memref<100096xf32, #tpu.memory_space<vmem_shared>>) dst(%arg26 : memref<2000xf32, #tpu.memory_space<vmem>>)
      %dma_wait3A_123 = arith.constant 0 : i32
      %dma_wait3A_124 = tpu.memref_slice %arg44[%dma_wait3A_123] : memref<100096xf32, #tpu.memory_space<vmem_shared>> -> memref<100096xf32, #tpu.memory_space<vmem_shared>>
      tpu.wait_indirect_dma semaphore(%arg40 : memref<!tpu.dma_semaphore, #tpu.memory_space<semaphore_mem>>) src(%dma_wait3A_124 : memref<100096xf32, #tpu.memory_space<vmem_shared>>) dst(%arg27 : memref<2000xf32, #tpu.memory_space<vmem>>)
      %add3A_125 = arith.constant 1 : i32
      %add3A_126 = arith.addi %add3A_112, %add3A_125 : i32
      %lt3A_127 = arith.constant 100 : i32
      %lt3A_128 = arith.cmpi slt, %add3A_126, %lt3A_127 : i32
      %convert_element_type3A_129 = arith.extui %lt3A_128 : i1 to i32
      %cond3A_130 = arith.constant 0 : i32
      %cond3A_131 = arith.cmpi ne, %convert_element_type3A_129, %cond3A_130 : i32
      scf.if %cond3A_131 {
        %add3A_170 = arith.constant 1 : i32
        %add3A_171 = arith.addi %add3A_112, %add3A_170 : i32
        %mul3A_172 = arith.constant 2000 : i32
        %mul3A_173 = arith.muli %add3A_171, %mul3A_172 : i32
        %add3A_174 = arith.addi %mul3A_10, %mul3A_173 : i32
        %dma_start3A_175 = tpu.memref_slice %arg5[%add3A_174] : memref<6400000xi32, #tpu.memory_space<hbm>> -> memref<2000xi32, #tpu.memory_space<hbm>>
        %dma_start3A_176 = tpu.memref_slice %arg5[%add3A_174] : memref<6400000xi32, #tpu.memory_space<hbm>> -> memref<2000xi32, #tpu.memory_space<hbm>>
        tpu.enqueue_dma source(%dma_start3A_176 : memref<2000xi32, #tpu.memory_space<hbm>>) target(%arg12 : memref<2000xi32, #tpu.memory_space<vmem>>) target_semaphore(%arg37 : memref<!tpu.dma_semaphore, #tpu.memory_space<semaphore_mem>>)
        %dma_start3A_177 = tpu.memref_slice %arg6[%add3A_174] : memref<6400000xi32, #tpu.memory_space<hbm>> -> memref<2000xi32, #tpu.memory_space<hbm>>
        %dma_start3A_178 = tpu.memref_slice %arg6[%add3A_174] : memref<6400000xi32, #tpu.memory_space<hbm>> -> memref<2000xi32, #tpu.memory_space<hbm>>
        tpu.enqueue_dma source(%dma_start3A_178 : memref<2000xi32, #tpu.memory_space<hbm>>) target(%arg13 : memref<2000xi32, #tpu.memory_space<vmem>>) target_semaphore(%arg37 : memref<!tpu.dma_semaphore, #tpu.memory_space<semaphore_mem>>)
        %dma_wait3A_179 = arith.constant 0 : i32
        %dma_wait3A_180 = tpu.memref_slice %arg5[%dma_wait3A_179] : memref<6400000xi32, #tpu.memory_space<hbm>> -> memref<2000xi32, #tpu.memory_space<hbm>>
        %dma_wait3A_181 = arith.constant 0 : i32
        %dma_wait3A_182 = tpu.memref_slice %arg5[%dma_wait3A_181] : memref<6400000xi32, #tpu.memory_space<hbm>> -> memref<2000xi32, #tpu.memory_space<hbm>>
        tpu.wait_dma2 semaphore(%arg37 : memref<!tpu.dma_semaphore, #tpu.memory_space<semaphore_mem>>) src(%dma_wait3A_182 : memref<2000xi32, #tpu.memory_space<hbm>>) dst(%arg12 : memref<2000xi32, #tpu.memory_space<vmem>>)
        %dma_wait3A_183 = arith.constant 0 : i32
        %dma_wait3A_184 = tpu.memref_slice %arg6[%dma_wait3A_183] : memref<6400000xi32, #tpu.memory_space<hbm>> -> memref<2000xi32, #tpu.memory_space<hbm>>
        %dma_wait3A_185 = arith.constant 0 : i32
        %dma_wait3A_186 = tpu.memref_slice %arg6[%dma_wait3A_185] : memref<6400000xi32, #tpu.memory_space<hbm>> -> memref<2000xi32, #tpu.memory_space<hbm>>
        tpu.wait_dma2 semaphore(%arg37 : memref<!tpu.dma_semaphore, #tpu.memory_space<semaphore_mem>>) src(%dma_wait3A_186 : memref<2000xi32, #tpu.memory_space<hbm>>) dst(%arg13 : memref<2000xi32, #tpu.memory_space<vmem>>)
        %dma_start3A_187 = arith.constant 0 : i32
        %dma_start3A_188 = tpu.memref_slice %arg42[%dma_start3A_187] : memref<100096xf32, #tpu.memory_space<vmem_shared>> -> memref<100096xf32, #tpu.memory_space<vmem_shared>>
        tpu.enqueue_indirect_dma source(%dma_start3A_188 : memref<100096xf32, #tpu.memory_space<vmem_shared>>) target(%arg16 : memref<2000xf32, #tpu.memory_space<vmem>>) offsets(%arg12 : memref<2000xi32, #tpu.memory_space<vmem>>) semaphore(%arg39 : memref<!tpu.dma_semaphore, #tpu.memory_space<semaphore_mem>>)
        %dma_start3A_189 = arith.constant 0 : i32
        %dma_start3A_190 = tpu.memref_slice %arg43[%dma_start3A_189] : memref<100096xf32, #tpu.memory_space<vmem_shared>> -> memref<100096xf32, #tpu.memory_space<vmem_shared>>
        tpu.enqueue_indirect_dma source(%dma_start3A_190 : memref<100096xf32, #tpu.memory_space<vmem_shared>>) target(%arg17 : memref<2000xf32, #tpu.memory_space<vmem>>) offsets(%arg12 : memref<2000xi32, #tpu.memory_space<vmem>>) semaphore(%arg39 : memref<!tpu.dma_semaphore, #tpu.memory_space<semaphore_mem>>)
        %dma_start3A_191 = arith.constant 0 : i32
        %dma_start3A_192 = tpu.memref_slice %arg44[%dma_start3A_191] : memref<100096xf32, #tpu.memory_space<vmem_shared>> -> memref<100096xf32, #tpu.memory_space<vmem_shared>>
        tpu.enqueue_indirect_dma source(%dma_start3A_192 : memref<100096xf32, #tpu.memory_space<vmem_shared>>) target(%arg18 : memref<2000xf32, #tpu.memory_space<vmem>>) offsets(%arg12 : memref<2000xi32, #tpu.memory_space<vmem>>) semaphore(%arg39 : memref<!tpu.dma_semaphore, #tpu.memory_space<semaphore_mem>>)
        %dma_start3A_193 = arith.constant 0 : i32
        %dma_start3A_194 = tpu.memref_slice %arg42[%dma_start3A_193] : memref<100096xf32, #tpu.memory_space<vmem_shared>> -> memref<100096xf32, #tpu.memory_space<vmem_shared>>
        tpu.enqueue_indirect_dma source(%dma_start3A_194 : memref<100096xf32, #tpu.memory_space<vmem_shared>>) target(%arg19 : memref<2000xf32, #tpu.memory_space<vmem>>) offsets(%arg13 : memref<2000xi32, #tpu.memory_space<vmem>>) semaphore(%arg39 : memref<!tpu.dma_semaphore, #tpu.memory_space<semaphore_mem>>)
        %dma_start3A_195 = arith.constant 0 : i32
        %dma_start3A_196 = tpu.memref_slice %arg43[%dma_start3A_195] : memref<100096xf32, #tpu.memory_space<vmem_shared>> -> memref<100096xf32, #tpu.memory_space<vmem_shared>>
        tpu.enqueue_indirect_dma source(%dma_start3A_196 : memref<100096xf32, #tpu.memory_space<vmem_shared>>) target(%arg20 : memref<2000xf32, #tpu.memory_space<vmem>>) offsets(%arg13 : memref<2000xi32, #tpu.memory_space<vmem>>) semaphore(%arg39 : memref<!tpu.dma_semaphore, #tpu.memory_space<semaphore_mem>>)
        %dma_start3A_197 = arith.constant 0 : i32
        %dma_start3A_198 = tpu.memref_slice %arg44[%dma_start3A_197] : memref<100096xf32, #tpu.memory_space<vmem_shared>> -> memref<100096xf32, #tpu.memory_space<vmem_shared>>
        tpu.enqueue_indirect_dma source(%dma_start3A_198 : memref<100096xf32, #tpu.memory_space<vmem_shared>>) target(%arg21 : memref<2000xf32, #tpu.memory_space<vmem>>) offsets(%arg13 : memref<2000xi32, #tpu.memory_space<vmem>>) semaphore(%arg39 : memref<!tpu.dma_semaphore, #tpu.memory_space<semaphore_mem>>)
      } else {
      }
      %scan3A_132 = arith.constant 0 : i32
      %scan3A_133 = arith.constant 125 : i32
      %scan3A_134 = arith.addi %scan3A_132, %scan3A_133 : i32
      %scan3A_135 = arith.constant 1 : i32
      %scan3A_136 = scf.for %scan3A_170 = %scan3A_132 to %scan3A_134 step %scan3A_135 iter_args(%scan3A_171 = %scan3A_75) -> (vector<16xf32>)  : i32 {
        %mul3A_172 = arith.constant 16 : i32
        %mul3A_173 = arith.muli %scan3A_170, %mul3A_172 : i32
        %get3A = arith.index_cast %mul3A_173 : i32 to index
        %get3A_174 = tpu.vector_load %arg25[%get3A] {strides = array<i32>} : memref<2000xf32, #tpu.memory_space<vmem>>, vector<16xf32>,
        %get3A_175 = vector.shape_cast %get3A_174 : vector<16xf32> to vector<16xf32>
        %get3A_176 = arith.index_cast %mul3A_173 : i32 to index
        %get3A_177 = tpu.vector_load %arg22[%get3A_176] {strides = array<i32>} : memref<2000xf32, #tpu.memory_space<vmem>>, vector<16xf32>,
        %get3A_178 = vector.shape_cast %get3A_177 : vector<16xf32> to vector<16xf32>
        %sub3A = arith.subf %get3A_175, %get3A_178 : vector<16xf32>
        %get3A_179 = arith.index_cast %mul3A_173 : i32 to index
        %get3A_180 = tpu.vector_load %arg26[%get3A_179] {strides = array<i32>} : memref<2000xf32, #tpu.memory_space<vmem>>, vector<16xf32>,
        %get3A_181 = vector.shape_cast %get3A_180 : vector<16xf32> to vector<16xf32>
        %get3A_182 = arith.index_cast %mul3A_173 : i32 to index
        %get3A_183 = tpu.vector_load %arg23[%get3A_182] {strides = array<i32>} : memref<2000xf32, #tpu.memory_space<vmem>>, vector<16xf32>,
        %get3A_184 = vector.shape_cast %get3A_183 : vector<16xf32> to vector<16xf32>
        %sub3A_185 = arith.subf %get3A_181, %get3A_184 : vector<16xf32>
        %get3A_186 = arith.index_cast %mul3A_173 : i32 to index
        %get3A_187 = tpu.vector_load %arg27[%get3A_186] {strides = array<i32>} : memref<2000xf32, #tpu.memory_space<vmem>>, vector<16xf32>,
        %get3A_188 = vector.shape_cast %get3A_187 : vector<16xf32> to vector<16xf32>
        %get3A_189 = arith.index_cast %mul3A_173 : i32 to index
        %get3A_190 = tpu.vector_load %arg24[%get3A_189] {strides = array<i32>} : memref<2000xf32, #tpu.memory_space<vmem>>, vector<16xf32>,
        %get3A_191 = vector.shape_cast %get3A_190 : vector<16xf32> to vector<16xf32>
        %sub3A_192 = arith.subf %get3A_188, %get3A_191 : vector<16xf32>
        %mul3A_193 = arith.mulf %sub3A, %sub3A : vector<16xf32>
        %mul3A_194 = arith.mulf %sub3A_185, %sub3A_185 : vector<16xf32>
        %add3A_195 = arith.addf %mul3A_193, %mul3A_194 : vector<16xf32>
        %mul3A_196 = arith.mulf %sub3A_192, %sub3A_192 : vector<16xf32>
        %add3A_197 = arith.addf %add3A_195, %mul3A_196 : vector<16xf32>
        %gt3A = arith.constant 0.000000e+00 : f32
        %gt3A_198 = vector.broadcast %gt3A : f32 to vector<16xf32>
        %gt3A_199 = arith.cmpf ogt, %add3A_197, %gt3A_198 : vector<16xf32>
        %bitcast_convert_type3A = tpu.bitcast %add3A_197 : vector<16xf32> -> vector<16xi32>
        %shift_right_arithmetic3A = arith.constant 1 : i32
        %shift_right_arithmetic3A_200 = vector.broadcast %shift_right_arithmetic3A : i32 to vector<16xi32>
        %shift_right_arithmetic3A_201 = arith.shrsi %bitcast_convert_type3A, %shift_right_arithmetic3A_200 : vector<16xi32>
        %sub3A_202 = arith.constant 1597463007 : i32
        %sub3A_203 = vector.broadcast %sub3A_202 : i32 to vector<16xi32>
        %sub3A_204 = arith.subi %sub3A_203, %shift_right_arithmetic3A_201 : vector<16xi32>
        %bitcast_convert_type3A_205 = tpu.bitcast %sub3A_204 : vector<16xi32> -> vector<16xf32>
        %mul3A_206 = arith.constant 5.000000e-01 : f32
        %mul3A_207 = vector.broadcast %mul3A_206 : f32 to vector<16xf32>
        %mul3A_208 = arith.mulf %mul3A_207, %add3A_197 : vector<16xf32>
        %mul3A_209 = arith.mulf %mul3A_208, %bitcast_convert_type3A_205 : vector<16xf32>
        %mul3A_210 = arith.mulf %mul3A_209, %bitcast_convert_type3A_205 : vector<16xf32>
        %sub3A_211 = arith.constant 1.500000e+00 : f32
        %sub3A_212 = vector.broadcast %sub3A_211 : f32 to vector<16xf32>
        %sub3A_213 = arith.subf %sub3A_212, %mul3A_210 : vector<16xf32>
        %mul3A_214 = arith.mulf %bitcast_convert_type3A_205, %sub3A_213 : vector<16xf32>
        %mul3A_215 = arith.constant 5.000000e-01 : f32
        %mul3A_216 = vector.broadcast %mul3A_215 : f32 to vector<16xf32>
        %mul3A_217 = arith.mulf %mul3A_216, %add3A_197 : vector<16xf32>
        %mul3A_218 = arith.mulf %mul3A_217, %mul3A_214 : vector<16xf32>
        %mul3A_219 = arith.mulf %mul3A_218, %mul3A_214 : vector<16xf32>
        %sub3A_220 = arith.constant 1.500000e+00 : f32
        %sub3A_221 = vector.broadcast %sub3A_220 : f32 to vector<16xf32>
        %sub3A_222 = arith.subf %sub3A_221, %mul3A_219 : vector<16xf32>
        %mul3A_223 = arith.mulf %mul3A_214, %sub3A_222 : vector<16xf32>
        %mul3A_224 = arith.constant 5.000000e-01 : f32
        %mul3A_225 = vector.broadcast %mul3A_224 : f32 to vector<16xf32>
        %mul3A_226 = arith.mulf %mul3A_225, %add3A_197 : vector<16xf32>
        %mul3A_227 = arith.mulf %mul3A_226, %mul3A_223 : vector<16xf32>
        %mul3A_228 = arith.mulf %mul3A_227, %mul3A_223 : vector<16xf32>
        %sub3A_229 = arith.constant 1.500000e+00 : f32
        %sub3A_230 = vector.broadcast %sub3A_229 : f32 to vector<16xf32>
        %sub3A_231 = arith.subf %sub3A_230, %mul3A_228 : vector<16xf32>
        %mul3A_232 = arith.mulf %mul3A_223, %sub3A_231 : vector<16xf32>
        %mul3A_233 = arith.mulf %add3A_197, %mul3A_232 : vector<16xf32>
        %jit3A = arith.constant 0.000000e+00 : f32
        %broadcast_in_dim3A_234 = vector.broadcast %jit3A : f32 to vector<16xf32>
        %select_n3A = arith.select %gt3A_199, %mul3A_233, %broadcast_in_dim3A_234 : vector<16xi1>, vector<16xf32>
        %sub3A_235 = arith.constant 1.000000e+00 : f32
        %sub3A_236 = vector.broadcast %sub3A_235 : f32 to vector<16xf32>
        %sub3A_237 = arith.subf %select_n3A, %sub3A_236 : vector<16xf32>
        %mul3A_238 = arith.constant -5.000000e+00 : f32
        %mul3A_239 = vector.broadcast %mul3A_238 : f32 to vector<16xf32>
        %mul3A_240 = arith.mulf %mul3A_239, %sub3A_237 : vector<16xf32>
        %exp3A = math.exp %mul3A_240 : vector<16xf32>
        %sub3A_241 = arith.constant 1.000000e+00 : f32
        %sub3A_242 = vector.broadcast %sub3A_241 : f32 to vector<16xf32>
        %sub3A_243 = arith.subf %sub3A_242, %exp3A : vector<16xf32>
        %lt3A_244 = arith.constant 2.500000e+00 : f32
        %lt3A_245 = vector.broadcast %lt3A_244 : f32 to vector<16xf32>
        %lt3A_246 = arith.cmpf olt, %select_n3A, %lt3A_245 : vector<16xf32>
        %and3A = arith.andi %gt3A_199, %lt3A_246 : vector<16xi1>
        %mul3A_247 = arith.constant 5.000000e+00 : f32
        %mul3A_248 = vector.broadcast %mul3A_247 : f32 to vector<16xf32>
        %mul3A_249 = arith.mulf %mul3A_248, %sub3A_243 : vector<16xf32>
        %mul3A_250 = arith.mulf %mul3A_249, %sub3A_243 : vector<16xf32>
        %sub3A_251 = arith.constant 5.000000e+00 : f32
        %sub3A_252 = vector.broadcast %sub3A_251 : f32 to vector<16xf32>
        %sub3A_253 = arith.subf %mul3A_250, %sub3A_252 : vector<16xf32>
        %jit3A_254 = arith.constant 0.000000e+00 : f32
        %broadcast_in_dim3A_255 = vector.broadcast %jit3A_254 : f32 to vector<16xf32>
        %select_n3A_256 = arith.select %and3A, %sub3A_253, %broadcast_in_dim3A_255 : vector<16xi1>, vector<16xf32>
        %mul3A_257 = arith.constant -5.000000e+01 : f32
        %mul3A_258 = vector.broadcast %mul3A_257 : f32 to vector<16xf32>
        %mul3A_259 = arith.mulf %mul3A_258, %exp3A : vector<16xf32>
        %mul3A_260 = arith.mulf %mul3A_259, %sub3A_243 : vector<16xf32>
        %jit3A_261 = arith.constant 0.000000e+00 : f32
        %broadcast_in_dim3A_262 = vector.broadcast %jit3A_261 : f32 to vector<16xf32>
        %select_n3A_263 = arith.select %and3A, %mul3A_260, %broadcast_in_dim3A_262 : vector<16xi1>, vector<16xf32>
        %mul3A_264 = arith.mulf %select_n3A_263, %mul3A_232 : vector<16xf32>
        %mul3A_265 = arith.mulf %mul3A_264, %sub3A : vector<16xf32>
        %mul3A_266 = arith.mulf %mul3A_264, %sub3A_185 : vector<16xf32>
        %mul3A_267 = arith.mulf %mul3A_264, %sub3A_192 : vector<16xf32>
        %mul3A_268 = arith.constant 5.000000e-01 : f32
        %mul3A_269 = vector.broadcast %mul3A_268 : f32 to vector<16xf32>
        %mul3A_270 = arith.mulf %mul3A_269, %select_n3A_256 : vector<16xf32>
        %swap3A_271 = arith.index_cast %mul3A_173 : i32 to index
        %swap3A_272 = tpu.vector_load %arg28[%swap3A_271] {strides = array<i32>} : memref<2000xf32, #tpu.memory_space<vmem>>, vector<16xf32>,
        %swap3A_273 = vector.shape_cast %swap3A_272 : vector<16xf32> to vector<16xf32>
        %swap3A_274 = vector.shape_cast %mul3A_270 : vector<16xf32> to vector<16xf32>
        tpu.vector_store %arg28[%swap3A_271], %swap3A_274 {strides = array<i32>} : memref<2000xf32, #tpu.memory_space<vmem>>, vector<16xf32>,
        %neg3A = arith.constant 0.000000e+00 : f32
        %neg3A_275 = vector.broadcast %neg3A : f32 to vector<16xf32>
        %neg3A_276 = arith.subf %neg3A_275, %mul3A_265 : vector<16xf32>
        %swap3A_277 = arith.index_cast %mul3A_173 : i32 to index
        %swap3A_278 = tpu.vector_load %arg29[%swap3A_277] {strides = array<i32>} : memref<2000xf32, #tpu.memory_space<vmem>>, vector<16xf32>,
        %swap3A_279 = vector.shape_cast %swap3A_278 : vector<16xf32> to vector<16xf32>
        %swap3A_280 = vector.shape_cast %neg3A_276 : vector<16xf32> to vector<16xf32>
        tpu.vector_store %arg29[%swap3A_277], %swap3A_280 {strides = array<i32>} : memref<2000xf32, #tpu.memory_space<vmem>>, vector<16xf32>,
        %neg3A_281 = arith.constant 0.000000e+00 : f32
        %neg3A_282 = vector.broadcast %neg3A_281 : f32 to vector<16xf32>
        %neg3A_283 = arith.subf %neg3A_282, %mul3A_266 : vector<16xf32>
        %swap3A_284 = arith.index_cast %mul3A_173 : i32 to index
        %swap3A_285 = tpu.vector_load %arg30[%swap3A_284] {strides = array<i32>} : memref<2000xf32, #tpu.memory_space<vmem>>, vector<16xf32>,
        %swap3A_286 = vector.shape_cast %swap3A_285 : vector<16xf32> to vector<16xf32>
        %swap3A_287 = vector.shape_cast %neg3A_283 : vector<16xf32> to vector<16xf32>
        tpu.vector_store %arg30[%swap3A_284], %swap3A_287 {strides = array<i32>} : memref<2000xf32, #tpu.memory_space<vmem>>, vector<16xf32>,
        %neg3A_288 = arith.constant 0.000000e+00 : f32
        %neg3A_289 = vector.broadcast %neg3A_288 : f32 to vector<16xf32>
        %neg3A_290 = arith.subf %neg3A_289, %mul3A_267 : vector<16xf32>
        %swap3A_291 = arith.index_cast %mul3A_173 : i32 to index
        %swap3A_292 = tpu.vector_load %arg31[%swap3A_291] {strides = array<i32>} : memref<2000xf32, #tpu.memory_space<vmem>>, vector<16xf32>,
        %swap3A_293 = vector.shape_cast %swap3A_292 : vector<16xf32> to vector<16xf32>
        %swap3A_294 = vector.shape_cast %neg3A_290 : vector<16xf32> to vector<16xf32>
        tpu.vector_store %arg31[%swap3A_291], %swap3A_294 {strides = array<i32>} : memref<2000xf32, #tpu.memory_space<vmem>>, vector<16xf32>,
        %swap3A_295 = arith.index_cast %mul3A_173 : i32 to index
        %swap3A_296 = tpu.vector_load %arg32[%swap3A_295] {strides = array<i32>} : memref<2000xf32, #tpu.memory_space<vmem>>, vector<16xf32>,
        %swap3A_297 = vector.shape_cast %swap3A_296 : vector<16xf32> to vector<16xf32>
        %swap3A_298 = vector.shape_cast %mul3A_265 : vector<16xf32> to vector<16xf32>
        tpu.vector_store %arg32[%swap3A_295], %swap3A_298 {strides = array<i32>} : memref<2000xf32, #tpu.memory_space<vmem>>, vector<16xf32>,
        %swap3A_299 = arith.index_cast %mul3A_173 : i32 to index
        %swap3A_300 = tpu.vector_load %arg33[%swap3A_299] {strides = array<i32>} : memref<2000xf32, #tpu.memory_space<vmem>>, vector<16xf32>,
        %swap3A_301 = vector.shape_cast %swap3A_300 : vector<16xf32> to vector<16xf32>
        %swap3A_302 = vector.shape_cast %mul3A_266 : vector<16xf32> to vector<16xf32>
        tpu.vector_store %arg33[%swap3A_299], %swap3A_302 {strides = array<i32>} : memref<2000xf32, #tpu.memory_space<vmem>>, vector<16xf32>,
        %swap3A_303 = arith.index_cast %mul3A_173 : i32 to index
        %swap3A_304 = tpu.vector_load %arg34[%swap3A_303] {strides = array<i32>} : memref<2000xf32, #tpu.memory_space<vmem>>, vector<16xf32>,
        %swap3A_305 = vector.shape_cast %swap3A_304 : vector<16xf32> to vector<16xf32>
        %swap3A_306 = vector.shape_cast %mul3A_267 : vector<16xf32> to vector<16xf32>
        tpu.vector_store %arg34[%swap3A_303], %swap3A_306 {strides = array<i32>} : memref<2000xf32, #tpu.memory_space<vmem>>, vector<16xf32>,
        %add3A_307 = arith.addf %scan3A_171, %select_n3A_256 : vector<16xf32>
        scf.yield %add3A_307 : vector<16xf32>
      }
      %scan3A_137 = arith.constant 125 : i32
      %dma_start3A_138 = arith.constant 0 : i32
      %dma_start3A_139 = tpu.memref_slice %arg45[%dma_start3A_138] : memref<100096xf32, #tpu.memory_space<vmem_shared>> -> memref<100096xf32, #tpu.memory_space<vmem_shared>>
      tpu.enqueue_indirect_dma source(%arg28 : memref<2000xf32, #tpu.memory_space<vmem>>) target(%dma_start3A_139 : memref<100096xf32, #tpu.memory_space<vmem_shared>>) offsets(%arg14 : memref<2000xi32, #tpu.memory_space<vmem>>) semaphore(%arg41 : memref<!tpu.dma_semaphore, #tpu.memory_space<semaphore_mem>>) {add = true}
      %dma_start3A_140 = arith.constant 0 : i32
      %dma_start3A_141 = tpu.memref_slice %arg45[%dma_start3A_140] : memref<100096xf32, #tpu.memory_space<vmem_shared>> -> memref<100096xf32, #tpu.memory_space<vmem_shared>>
      tpu.enqueue_indirect_dma source(%arg28 : memref<2000xf32, #tpu.memory_space<vmem>>) target(%dma_start3A_141 : memref<100096xf32, #tpu.memory_space<vmem_shared>>) offsets(%arg15 : memref<2000xi32, #tpu.memory_space<vmem>>) semaphore(%arg41 : memref<!tpu.dma_semaphore, #tpu.memory_space<semaphore_mem>>) {add = true}
      %dma_start3A_142 = arith.constant 0 : i32
      %dma_start3A_143 = tpu.memref_slice %arg46[%dma_start3A_142] : memref<100096xf32, #tpu.memory_space<vmem_shared>> -> memref<100096xf32, #tpu.memory_space<vmem_shared>>
      tpu.enqueue_indirect_dma source(%arg29 : memref<2000xf32, #tpu.memory_space<vmem>>) target(%dma_start3A_143 : memref<100096xf32, #tpu.memory_space<vmem_shared>>) offsets(%arg14 : memref<2000xi32, #tpu.memory_space<vmem>>) semaphore(%arg41 : memref<!tpu.dma_semaphore, #tpu.memory_space<semaphore_mem>>) {add = true}
      %dma_start3A_144 = arith.constant 0 : i32
      %dma_start3A_145 = tpu.memref_slice %arg47[%dma_start3A_144] : memref<100096xf32, #tpu.memory_space<vmem_shared>> -> memref<100096xf32, #tpu.memory_space<vmem_shared>>
      tpu.enqueue_indirect_dma source(%arg30 : memref<2000xf32, #tpu.memory_space<vmem>>) target(%dma_start3A_145 : memref<100096xf32, #tpu.memory_space<vmem_shared>>) offsets(%arg14 : memref<2000xi32, #tpu.memory_space<vmem>>) semaphore(%arg41 : memref<!tpu.dma_semaphore, #tpu.memory_space<semaphore_mem>>) {add = true}
      %dma_start3A_146 = arith.constant 0 : i32
      %dma_start3A_147 = tpu.memref_slice %arg48[%dma_start3A_146] : memref<100096xf32, #tpu.memory_space<vmem_shared>> -> memref<100096xf32, #tpu.memory_space<vmem_shared>>
      tpu.enqueue_indirect_dma source(%arg31 : memref<2000xf32, #tpu.memory_space<vmem>>) target(%dma_start3A_147 : memref<100096xf32, #tpu.memory_space<vmem_shared>>) offsets(%arg14 : memref<2000xi32, #tpu.memory_space<vmem>>) semaphore(%arg41 : memref<!tpu.dma_semaphore, #tpu.memory_space<semaphore_mem>>) {add = true}
      %dma_start3A_148 = arith.constant 0 : i32
      %dma_start3A_149 = tpu.memref_slice %arg46[%dma_start3A_148] : memref<100096xf32, #tpu.memory_space<vmem_shared>> -> memref<100096xf32, #tpu.memory_space<vmem_shared>>
      tpu.enqueue_indirect_dma source(%arg32 : memref<2000xf32, #tpu.memory_space<vmem>>) target(%dma_start3A_149 : memref<100096xf32, #tpu.memory_space<vmem_shared>>) offsets(%arg15 : memref<2000xi32, #tpu.memory_space<vmem>>) semaphore(%arg41 : memref<!tpu.dma_semaphore, #tpu.memory_space<semaphore_mem>>) {add = true}
      %dma_start3A_150 = arith.constant 0 : i32
      %dma_start3A_151 = tpu.memref_slice %arg47[%dma_start3A_150] : memref<100096xf32, #tpu.memory_space<vmem_shared>> -> memref<100096xf32, #tpu.memory_space<vmem_shared>>
      tpu.enqueue_indirect_dma source(%arg33 : memref<2000xf32, #tpu.memory_space<vmem>>) target(%dma_start3A_151 : memref<100096xf32, #tpu.memory_space<vmem_shared>>) offsets(%arg15 : memref<2000xi32, #tpu.memory_space<vmem>>) semaphore(%arg41 : memref<!tpu.dma_semaphore, #tpu.memory_space<semaphore_mem>>) {add = true}
      %dma_start3A_152 = arith.constant 0 : i32
      %dma_start3A_153 = tpu.memref_slice %arg48[%dma_start3A_152] : memref<100096xf32, #tpu.memory_space<vmem_shared>> -> memref<100096xf32, #tpu.memory_space<vmem_shared>>
      tpu.enqueue_indirect_dma source(%arg34 : memref<2000xf32, #tpu.memory_space<vmem>>) target(%dma_start3A_153 : memref<100096xf32, #tpu.memory_space<vmem_shared>>) offsets(%arg15 : memref<2000xi32, #tpu.memory_space<vmem>>) semaphore(%arg41 : memref<!tpu.dma_semaphore, #tpu.memory_space<semaphore_mem>>) {add = true}
      %dma_wait3A_154 = arith.constant 0 : i32
      %dma_wait3A_155 = tpu.memref_slice %arg45[%dma_wait3A_154] : memref<100096xf32, #tpu.memory_space<vmem_shared>> -> memref<100096xf32, #tpu.memory_space<vmem_shared>>
      tpu.wait_indirect_dma semaphore(%arg41 : memref<!tpu.dma_semaphore, #tpu.memory_space<semaphore_mem>>) src(%arg28 : memref<2000xf32, #tpu.memory_space<vmem>>) dst(%dma_wait3A_155 : memref<100096xf32, #tpu.memory_space<vmem_shared>>)
      %dma_wait3A_156 = arith.constant 0 : i32
      %dma_wait3A_157 = tpu.memref_slice %arg45[%dma_wait3A_156] : memref<100096xf32, #tpu.memory_space<vmem_shared>> -> memref<100096xf32, #tpu.memory_space<vmem_shared>>
      tpu.wait_indirect_dma semaphore(%arg41 : memref<!tpu.dma_semaphore, #tpu.memory_space<semaphore_mem>>) src(%arg28 : memref<2000xf32, #tpu.memory_space<vmem>>) dst(%dma_wait3A_157 : memref<100096xf32, #tpu.memory_space<vmem_shared>>)
      %dma_wait3A_158 = arith.constant 0 : i32
      %dma_wait3A_159 = tpu.memref_slice %arg46[%dma_wait3A_158] : memref<100096xf32, #tpu.memory_space<vmem_shared>> -> memref<100096xf32, #tpu.memory_space<vmem_shared>>
      tpu.wait_indirect_dma semaphore(%arg41 : memref<!tpu.dma_semaphore, #tpu.memory_space<semaphore_mem>>) src(%arg29 : memref<2000xf32, #tpu.memory_space<vmem>>) dst(%dma_wait3A_159 : memref<100096xf32, #tpu.memory_space<vmem_shared>>)
      %dma_wait3A_160 = arith.constant 0 : i32
      %dma_wait3A_161 = tpu.memref_slice %arg47[%dma_wait3A_160] : memref<100096xf32, #tpu.memory_space<vmem_shared>> -> memref<100096xf32, #tpu.memory_space<vmem_shared>>
      tpu.wait_indirect_dma semaphore(%arg41 : memref<!tpu.dma_semaphore, #tpu.memory_space<semaphore_mem>>) src(%arg30 : memref<2000xf32, #tpu.memory_space<vmem>>) dst(%dma_wait3A_161 : memref<100096xf32, #tpu.memory_space<vmem_shared>>)
      %dma_wait3A_162 = arith.constant 0 : i32
      %dma_wait3A_163 = tpu.memref_slice %arg48[%dma_wait3A_162] : memref<100096xf32, #tpu.memory_space<vmem_shared>> -> memref<100096xf32, #tpu.memory_space<vmem_shared>>
      tpu.wait_indirect_dma semaphore(%arg41 : memref<!tpu.dma_semaphore, #tpu.memory_space<semaphore_mem>>) src(%arg31 : memref<2000xf32, #tpu.memory_space<vmem>>) dst(%dma_wait3A_163 : memref<100096xf32, #tpu.memory_space<vmem_shared>>)
      %dma_wait3A_164 = arith.constant 0 : i32
      %dma_wait3A_165 = tpu.memref_slice %arg46[%dma_wait3A_164] : memref<100096xf32, #tpu.memory_space<vmem_shared>> -> memref<100096xf32, #tpu.memory_space<vmem_shared>>
      tpu.wait_indirect_dma semaphore(%arg41 : memref<!tpu.dma_semaphore, #tpu.memory_space<semaphore_mem>>) src(%arg32 : memref<2000xf32, #tpu.memory_space<vmem>>) dst(%dma_wait3A_165 : memref<100096xf32, #tpu.memory_space<vmem_shared>>)
      %dma_wait3A_166 = arith.constant 0 : i32
      %dma_wait3A_167 = tpu.memref_slice %arg47[%dma_wait3A_166] : memref<100096xf32, #tpu.memory_space<vmem_shared>> -> memref<100096xf32, #tpu.memory_space<vmem_shared>>
      tpu.wait_indirect_dma semaphore(%arg41 : memref<!tpu.dma_semaphore, #tpu.memory_space<semaphore_mem>>) src(%arg33 : memref<2000xf32, #tpu.memory_space<vmem>>) dst(%dma_wait3A_167 : memref<100096xf32, #tpu.memory_space<vmem_shared>>)
      %dma_wait3A_168 = arith.constant 0 : i32
      %dma_wait3A_169 = tpu.memref_slice %arg48[%dma_wait3A_168] : memref<100096xf32, #tpu.memory_space<vmem_shared>> -> memref<100096xf32, #tpu.memory_space<vmem_shared>>
      tpu.wait_indirect_dma semaphore(%arg41 : memref<!tpu.dma_semaphore, #tpu.memory_space<semaphore_mem>>) src(%arg34 : memref<2000xf32, #tpu.memory_space<vmem>>) dst(%dma_wait3A_169 : memref<100096xf32, #tpu.memory_space<vmem_shared>>)
      scf.yield %scan3A_136 : vector<16xf32>
    }
    %scan3A_41 = arith.constant 50 : i32
    %swap3A = arith.constant 0 : index
    %swap3A_42 = tpu.vector_load %arg35[%swap3A] {strides = array<i32>} : memref<16xf32, #tpu.memory_space<vmem>>, vector<16xf32>,
    %swap3A_43 = vector.shape_cast %swap3A_42 : vector<16xf32> to vector<16xf32>
    %swap3A_44 = vector.shape_cast %scan3A_40 : vector<16xf32> to vector<16xf32>
    tpu.vector_store %arg35[%swap3A], %swap3A_44 {strides = array<i32>} : memref<16xf32, #tpu.memory_space<vmem>>, vector<16xf32>,
    %barrier3A_45 = arith.constant 0 : index
    tpu.barrier barrier_id(%barrier3A_45)
    %mul3A_46 = arith.constant 100096 : i32
    %mul3A_47 = arith.muli %arg0, %mul3A_46 : i32
    %add3A_48 = arith.addi %mul3A_47, %mul3A_2 : i32
    "tpu.region"() ({
      %run_scoped3A = tpu.sem_alloc : memref<!tpu.dma_semaphore, #tpu.memory_space<semaphore_mem>>
      %dma_start3A_51 = tpu.memref_slice %arg45[%mul3A_2] : memref<100096xf32, #tpu.memory_space<vmem_shared>> -> memref<6256xf32, #tpu.memory_space<vmem_shared>>
      %dma_start3A_52 = tpu.memref_slice %arg45[%mul3A_2] : memref<100096xf32, #tpu.memory_space<vmem_shared>> -> memref<6256xf32, #tpu.memory_space<vmem_shared>>
      tpu.enqueue_dma source(%dma_start3A_52 : memref<6256xf32, #tpu.memory_space<vmem_shared>>) target(%arg36 : memref<6256xf32, #tpu.memory_space<vmem>>) target_semaphore(%run_scoped3A : memref<!tpu.dma_semaphore, #tpu.memory_space<semaphore_mem>>)
      %dma_wait3A_53 = tpu.memref_slice %arg45[%mul3A_2] : memref<100096xf32, #tpu.memory_space<vmem_shared>> -> memref<6256xf32, #tpu.memory_space<vmem_shared>>
      %dma_wait3A_54 = tpu.memref_slice %arg45[%mul3A_2] : memref<100096xf32, #tpu.memory_space<vmem_shared>> -> memref<6256xf32, #tpu.memory_space<vmem_shared>>
      tpu.wait_dma2 semaphore(%run_scoped3A : memref<!tpu.dma_semaphore, #tpu.memory_space<semaphore_mem>>) src(%dma_wait3A_54 : memref<6256xf32, #tpu.memory_space<vmem_shared>>) dst(%arg36 : memref<6256xf32, #tpu.memory_space<vmem>>)
      tpu.yield
    }) : () -> ()
    "tpu.region"() ({
      %run_scoped3A = tpu.sem_alloc : memref<!tpu.dma_semaphore, #tpu.memory_space<semaphore_mem>>
      %dma_start3A_51 = tpu.memref_slice %arg7[%add3A_48] : memref<200192xf32, #tpu.memory_space<hbm>> -> memref<6256xf32, #tpu.memory_space<hbm>>
      %dma_start3A_52 = tpu.memref_slice %arg7[%add3A_48] : memref<200192xf32, #tpu.memory_space<hbm>> -> memref<6256xf32, #tpu.memory_space<hbm>>
      tpu.enqueue_dma source(%arg36 : memref<6256xf32, #tpu.memory_space<vmem>>) target(%dma_start3A_52 : memref<6256xf32, #tpu.memory_space<hbm>>) target_semaphore(%run_scoped3A : memref<!tpu.dma_semaphore, #tpu.memory_space<semaphore_mem>>)
      %dma_wait3A_53 = tpu.memref_slice %arg7[%add3A_48] : memref<200192xf32, #tpu.memory_space<hbm>> -> memref<6256xf32, #tpu.memory_space<hbm>>
      %dma_wait3A_54 = tpu.memref_slice %arg7[%add3A_48] : memref<200192xf32, #tpu.memory_space<hbm>> -> memref<6256xf32, #tpu.memory_space<hbm>>
      tpu.wait_dma2 semaphore(%run_scoped3A : memref<!tpu.dma_semaphore, #tpu.memory_space<semaphore_mem>>) src(%arg36 : memref<6256xf32, #tpu.memory_space<vmem>>) dst(%dma_wait3A_54 : memref<6256xf32, #tpu.memory_space<hbm>>)
      tpu.yield
    }) : () -> ()
    "tpu.region"() ({
      %run_scoped3A = tpu.sem_alloc : memref<!tpu.dma_semaphore, #tpu.memory_space<semaphore_mem>>
      %dma_start3A_51 = tpu.memref_slice %arg46[%mul3A_2] : memref<100096xf32, #tpu.memory_space<vmem_shared>> -> memref<6256xf32, #tpu.memory_space<vmem_shared>>
      %dma_start3A_52 = tpu.memref_slice %arg46[%mul3A_2] : memref<100096xf32, #tpu.memory_space<vmem_shared>> -> memref<6256xf32, #tpu.memory_space<vmem_shared>>
      tpu.enqueue_dma source(%dma_start3A_52 : memref<6256xf32, #tpu.memory_space<vmem_shared>>) target(%arg36 : memref<6256xf32, #tpu.memory_space<vmem>>) target_semaphore(%run_scoped3A : memref<!tpu.dma_semaphore, #tpu.memory_space<semaphore_mem>>)
      %dma_wait3A_53 = tpu.memref_slice %arg46[%mul3A_2] : memref<100096xf32, #tpu.memory_space<vmem_shared>> -> memref<6256xf32, #tpu.memory_space<vmem_shared>>
      %dma_wait3A_54 = tpu.memref_slice %arg46[%mul3A_2] : memref<100096xf32, #tpu.memory_space<vmem_shared>> -> memref<6256xf32, #tpu.memory_space<vmem_shared>>
      tpu.wait_dma2 semaphore(%run_scoped3A : memref<!tpu.dma_semaphore, #tpu.memory_space<semaphore_mem>>) src(%dma_wait3A_54 : memref<6256xf32, #tpu.memory_space<vmem_shared>>) dst(%arg36 : memref<6256xf32, #tpu.memory_space<vmem>>)
      tpu.yield
    }) : () -> ()
    "tpu.region"() ({
      %run_scoped3A = tpu.sem_alloc : memref<!tpu.dma_semaphore, #tpu.memory_space<semaphore_mem>>
      %dma_start3A_51 = tpu.memref_slice %arg8[%add3A_48] : memref<200192xf32, #tpu.memory_space<hbm>> -> memref<6256xf32, #tpu.memory_space<hbm>>
      %dma_start3A_52 = tpu.memref_slice %arg8[%add3A_48] : memref<200192xf32, #tpu.memory_space<hbm>> -> memref<6256xf32, #tpu.memory_space<hbm>>
      tpu.enqueue_dma source(%arg36 : memref<6256xf32, #tpu.memory_space<vmem>>) target(%dma_start3A_52 : memref<6256xf32, #tpu.memory_space<hbm>>) target_semaphore(%run_scoped3A : memref<!tpu.dma_semaphore, #tpu.memory_space<semaphore_mem>>)
      %dma_wait3A_53 = tpu.memref_slice %arg8[%add3A_48] : memref<200192xf32, #tpu.memory_space<hbm>> -> memref<6256xf32, #tpu.memory_space<hbm>>
      %dma_wait3A_54 = tpu.memref_slice %arg8[%add3A_48] : memref<200192xf32, #tpu.memory_space<hbm>> -> memref<6256xf32, #tpu.memory_space<hbm>>
      tpu.wait_dma2 semaphore(%run_scoped3A : memref<!tpu.dma_semaphore, #tpu.memory_space<semaphore_mem>>) src(%arg36 : memref<6256xf32, #tpu.memory_space<vmem>>) dst(%dma_wait3A_54 : memref<6256xf32, #tpu.memory_space<hbm>>)
      tpu.yield
    }) : () -> ()
    "tpu.region"() ({
      %run_scoped3A = tpu.sem_alloc : memref<!tpu.dma_semaphore, #tpu.memory_space<semaphore_mem>>
      %dma_start3A_51 = tpu.memref_slice %arg47[%mul3A_2] : memref<100096xf32, #tpu.memory_space<vmem_shared>> -> memref<6256xf32, #tpu.memory_space<vmem_shared>>
      %dma_start3A_52 = tpu.memref_slice %arg47[%mul3A_2] : memref<100096xf32, #tpu.memory_space<vmem_shared>> -> memref<6256xf32, #tpu.memory_space<vmem_shared>>
      tpu.enqueue_dma source(%dma_start3A_52 : memref<6256xf32, #tpu.memory_space<vmem_shared>>) target(%arg36 : memref<6256xf32, #tpu.memory_space<vmem>>) target_semaphore(%run_scoped3A : memref<!tpu.dma_semaphore, #tpu.memory_space<semaphore_mem>>)
      %dma_wait3A_53 = tpu.memref_slice %arg47[%mul3A_2] : memref<100096xf32, #tpu.memory_space<vmem_shared>> -> memref<6256xf32, #tpu.memory_space<vmem_shared>>
      %dma_wait3A_54 = tpu.memref_slice %arg47[%mul3A_2] : memref<100096xf32, #tpu.memory_space<vmem_shared>> -> memref<6256xf32, #tpu.memory_space<vmem_shared>>
      tpu.wait_dma2 semaphore(%run_scoped3A : memref<!tpu.dma_semaphore, #tpu.memory_space<semaphore_mem>>) src(%dma_wait3A_54 : memref<6256xf32, #tpu.memory_space<vmem_shared>>) dst(%arg36 : memref<6256xf32, #tpu.memory_space<vmem>>)
      tpu.yield
    }) : () -> ()
    "tpu.region"() ({
      %run_scoped3A = tpu.sem_alloc : memref<!tpu.dma_semaphore, #tpu.memory_space<semaphore_mem>>
      %dma_start3A_51 = tpu.memref_slice %arg9[%add3A_48] : memref<200192xf32, #tpu.memory_space<hbm>> -> memref<6256xf32, #tpu.memory_space<hbm>>
      %dma_start3A_52 = tpu.memref_slice %arg9[%add3A_48] : memref<200192xf32, #tpu.memory_space<hbm>> -> memref<6256xf32, #tpu.memory_space<hbm>>
      tpu.enqueue_dma source(%arg36 : memref<6256xf32, #tpu.memory_space<vmem>>) target(%dma_start3A_52 : memref<6256xf32, #tpu.memory_space<hbm>>) target_semaphore(%run_scoped3A : memref<!tpu.dma_semaphore, #tpu.memory_space<semaphore_mem>>)
      %dma_wait3A_53 = tpu.memref_slice %arg9[%add3A_48] : memref<200192xf32, #tpu.memory_space<hbm>> -> memref<6256xf32, #tpu.memory_space<hbm>>
      %dma_wait3A_54 = tpu.memref_slice %arg9[%add3A_48] : memref<200192xf32, #tpu.memory_space<hbm>> -> memref<6256xf32, #tpu.memory_space<hbm>>
      tpu.wait_dma2 semaphore(%run_scoped3A : memref<!tpu.dma_semaphore, #tpu.memory_space<semaphore_mem>>) src(%arg36 : memref<6256xf32, #tpu.memory_space<vmem>>) dst(%dma_wait3A_54 : memref<6256xf32, #tpu.memory_space<hbm>>)
      tpu.yield
    }) : () -> ()
    "tpu.region"() ({
      %run_scoped3A = tpu.sem_alloc : memref<!tpu.dma_semaphore, #tpu.memory_space<semaphore_mem>>
      %dma_start3A_51 = tpu.memref_slice %arg48[%mul3A_2] : memref<100096xf32, #tpu.memory_space<vmem_shared>> -> memref<6256xf32, #tpu.memory_space<vmem_shared>>
      %dma_start3A_52 = tpu.memref_slice %arg48[%mul3A_2] : memref<100096xf32, #tpu.memory_space<vmem_shared>> -> memref<6256xf32, #tpu.memory_space<vmem_shared>>
      tpu.enqueue_dma source(%dma_start3A_52 : memref<6256xf32, #tpu.memory_space<vmem_shared>>) target(%arg36 : memref<6256xf32, #tpu.memory_space<vmem>>) target_semaphore(%run_scoped3A : memref<!tpu.dma_semaphore, #tpu.memory_space<semaphore_mem>>)
      %dma_wait3A_53 = tpu.memref_slice %arg48[%mul3A_2] : memref<100096xf32, #tpu.memory_space<vmem_shared>> -> memref<6256xf32, #tpu.memory_space<vmem_shared>>
      %dma_wait3A_54 = tpu.memref_slice %arg48[%mul3A_2] : memref<100096xf32, #tpu.memory_space<vmem_shared>> -> memref<6256xf32, #tpu.memory_space<vmem_shared>>
      tpu.wait_dma2 semaphore(%run_scoped3A : memref<!tpu.dma_semaphore, #tpu.memory_space<semaphore_mem>>) src(%dma_wait3A_54 : memref<6256xf32, #tpu.memory_space<vmem_shared>>) dst(%arg36 : memref<6256xf32, #tpu.memory_space<vmem>>)
      tpu.yield
    }) : () -> ()
    "tpu.region"() ({
      %run_scoped3A = tpu.sem_alloc : memref<!tpu.dma_semaphore, #tpu.memory_space<semaphore_mem>>
      %dma_start3A_51 = tpu.memref_slice %arg10[%add3A_48] : memref<200192xf32, #tpu.memory_space<hbm>> -> memref<6256xf32, #tpu.memory_space<hbm>>
      %dma_start3A_52 = tpu.memref_slice %arg10[%add3A_48] : memref<200192xf32, #tpu.memory_space<hbm>> -> memref<6256xf32, #tpu.memory_space<hbm>>
      tpu.enqueue_dma source(%arg36 : memref<6256xf32, #tpu.memory_space<vmem>>) target(%dma_start3A_52 : memref<6256xf32, #tpu.memory_space<hbm>>) target_semaphore(%run_scoped3A : memref<!tpu.dma_semaphore, #tpu.memory_space<semaphore_mem>>)
      %dma_wait3A_53 = tpu.memref_slice %arg10[%add3A_48] : memref<200192xf32, #tpu.memory_space<hbm>> -> memref<6256xf32, #tpu.memory_space<hbm>>
      %dma_wait3A_54 = tpu.memref_slice %arg10[%add3A_48] : memref<200192xf32, #tpu.memory_space<hbm>> -> memref<6256xf32, #tpu.memory_space<hbm>>
      tpu.wait_dma2 semaphore(%run_scoped3A : memref<!tpu.dma_semaphore, #tpu.memory_space<semaphore_mem>>) src(%arg36 : memref<6256xf32, #tpu.memory_space<vmem>>) dst(%dma_wait3A_54 : memref<6256xf32, #tpu.memory_space<hbm>>)
      tpu.yield
    }) : () -> ()
    %mul3A_49 = arith.constant 16 : i32
    %mul3A_50 = arith.muli %add3A, %mul3A_49 : i32
    "tpu.region"() ({
      %run_scoped3A = tpu.sem_alloc : memref<!tpu.dma_semaphore, #tpu.memory_space<semaphore_mem>>
      %dma_start3A_51 = tpu.memref_slice %arg11[%mul3A_50] : memref<512xf32, #tpu.memory_space<hbm>> -> memref<16xf32, #tpu.memory_space<hbm>>
      %dma_start3A_52 = tpu.memref_slice %arg11[%mul3A_50] : memref<512xf32, #tpu.memory_space<hbm>> -> memref<16xf32, #tpu.memory_space<hbm>>
      tpu.enqueue_dma source(%arg35 : memref<16xf32, #tpu.memory_space<vmem>>) target(%dma_start3A_52 : memref<16xf32, #tpu.memory_space<hbm>>) target_semaphore(%run_scoped3A : memref<!tpu.dma_semaphore, #tpu.memory_space<semaphore_mem>>)
      %dma_wait3A_53 = tpu.memref_slice %arg11[%mul3A_50] : memref<512xf32, #tpu.memory_space<hbm>> -> memref<16xf32, #tpu.memory_space<hbm>>
      %dma_wait3A_54 = tpu.memref_slice %arg11[%mul3A_50] : memref<512xf32, #tpu.memory_space<hbm>> -> memref<16xf32, #tpu.memory_space<hbm>>
      tpu.wait_dma2 semaphore(%run_scoped3A : memref<!tpu.dma_semaphore, #tpu.memory_space<semaphore_mem>>) src(%arg35 : memref<16xf32, #tpu.memory_space<vmem>>) dst(%dma_wait3A_54 : memref<16xf32, #tpu.memory_space<hbm>>)
      tpu.yield
    }) : () -> ()
    return
  }
}

</mosaic_0001>

<sc_bundles>
// kernel: kernel.3.cloned.1.call-start
scs
__scs_entry_jumppad:
0x0: {  	(pc) =	sbr.rel $0x88, $3  }
0x1: {  	(tag) =	ssettag $0x0;
	lr =	simm.s32 $0x1  }
0x2: {  	[smem:$0x3F9F] =	sst lr;
	_ =	strace $0xD0000000  }
0x3: {  	_ = 	snop  }
0x4: {  	_ = 	snop  }
0x5: {  	_ = 	snop  }
0x6: {  	_ = 	snop  }
0x7: {  	_ = 	snop  }
__scs_overlays_trampoline_lowered:
0x8: {  	[smem:$0x3FAE] =	sst s0  }
0x9: {  	[smem:$0x3FAF] =	sst s1  }
0xa: {  	[smem:$0x3FB0] =	sst s2  }
0xb: {  	[smem:$0x3FB1] =	sst s3  }
0xc: {  	[smem:$0x3FB2] =	sst s4  }
0xd: {  	[smem:$0x3FB3] =	sst s5  }
0xe: {  	[smem:$0x3FB4] =	sst s6  }
0xf: {  	[smem:$0x3FB5] =	sst s7  }
0x10: {  	[smem:$0x3FB6] =	sst s8  }
0x11: {  	[smem:$0x3FB7] =	sst s9;
	s0 =	simm.s32 @!p0 $0x0  }
0x12: {  	s1 =	sld [smem:$0x3F9D];
	s0 =	simm.s32 @p0 $0x1  }
0x13: {  	[smem:$0x3FB8] =	sst s0;
	s0 =	simm.s32 @!p1 $0x0  }
0x14: {  	s2 =	sld [smem:$0x3F9C];
	s0 =	simm.s32 @p1 $0x1  }
0x15: {  	[smem:$0x3FB9] =	sst s0;
	s0 =	simm.s32 @!p2 $0x0  }
0x16: {  	s3 =	sld [smem:$0x3FDB];
	s0 =	simm.s32 @p2 $0x1  }
0x17: {  	s4 =	simm.s32 $0x1BF5;
	[smem:$0x3FBB] =	sst s0  }
0x18: {  	s0 =	sld [smem:$0x3F9E];
	_ =	swait.ge [sflag:s4], $0x0  }
0x19: {  	s7 =	sld [smem:$0x3F9F]  }
0x1a: {  	s8 =	sadd.s32 $0xFFFFE003, lr  }
0x1b: {  	s9 =	sadd.s32 $0xFFFFFEF7, lr;
	s5 =	simm.s32 $0xFFFFFFFF;
	p2 =	slt.u32 s8, $0xFFFFF086  }
0x1c: {  	p1 =	slt.u32 s9, $0xF7A;
	s5 =	simm.s32 @!p2 $0x0  }
0x1d: {  	s5 =	simm.s32 @p1 $0x1;
	p0 =	seq.s32 s7, s2  }
0x1e: {  	s7 =	smul.u32 @!p0 $0xF7A, s2;
	p2 =	seq.s32 @!p0 s5, $0x0  }
0x1f: {  	s9 =	smul.u32 $0xF7A, s1;
	s8 =	simm.s32 @!p0 $0x1BF5;
	p2 =	por !p2, p0  }
0x20: {  	[sflag:s8] =	ssyncset.s32 @!p0 $0xFFFFF086;
	s6 =	sadd.s32 @!p0 s3, s7;
	s7 =	simm.s32 @!p0 $0x108  }
0x21: {  	s3 =	sadd.s32 s3, s9;
	s6 =	sadd.s32 @!p0 $0x88, s6;
	s7 =	simm.s32 @p2 $0x1082  }
0x22: {  	[simem:s7], [sflag:s8] =	dma.local @!p0 [hbm:s6], $0xF7A  }
0x23: {  	s9 =	sor.u32 $0xD0000000, s2;
	s6 =	simm.s32 $0x108;
	_ =	swait.ge @!p0 [sflag:s8], $0x0  }
0x24: {  	s3 =	sadd.s32 $0x88, s3;
	s6 =	simm.s32 @!p1 $0x1082;
	[sflag:s4] =	ssyncset.s32 $0xFFFFF086  }
0x25: {  	[simem:s6], [sflag:s4] =	dma.local [hbm:s3], $0xF7A  }
0x26: {  	[smem:$0x3F9F] =	sst s1;
	(tag) =	ssettag s2;
	_ =	strace s9  }
0x27: {  	s1 =	sld [smem:$0x3FAF]  }
0x28: {  	s2 =	sld [smem:$0x3FB0]  }
0x29: {  	s4 =	sld [smem:$0x3FB2]  }
0x2a: {  	p0 =	seq.s32 s5, $0x0;
	s5 =	sld [smem:$0x3FB3]  }
0x2b: {  	s6 =	sld [smem:$0x3FB4]  }
0x2c: {  	s7 =	sld [smem:$0x3FB5]  }
0x2d: {  	s3 =	simm.s32 $0x108;
	s8 =	sld [smem:$0x3FB6]  }
0x2e: {  	s3 =	simm.s32 @!p0 $0x1082;
	s9 =	sld [smem:$0x3FB7]  }
0x2f: {  	lr =	sadd.s32 s0, s3;
	s0 =	sld [smem:$0x3FAE]  }
0x30: {  	s3 =	sld [smem:$0x3FB1]  }
0x31: {  	[smem:$0x3FBA] =	sst s10  }
0x32: {  	s10 =	sld [smem:$0x3FB8];
	_ =	sdelay $0x3  }
0x33: {  	p0 =	seq.s32 s10, $0x1;
	s10 =	sld [smem:$0x3FBA];
	_ =	sdelay $0x3  }
0x34: {  	[smem:$0x3FBA] =	sst s10  }
0x35: {  	s10 =	sld [smem:$0x3FB9];
	_ =	sdelay $0x3  }
0x36: {  	p1 =	seq.s32 s10, $0x1;
	s10 =	sld [smem:$0x3FBA];
	_ =	sdelay $0x3  }
0x37: {  	[smem:$0x3FBA] =	sst s10  }
0x38: {  	s10 =	sld [smem:$0x3FBB]  }
0x39: {  	_ = 	snop;
	(pc) =	sbr.ind lr, $3  }
0x3a: {  	_ = 	snop  }
0x3b: {  	_ = 	snop  }
0x3c: {  	p2 =	seq.s32 s10, $0x1;
	s10 =	sld [smem:$0x3FBA]  }
0x3d: {  	_ =	shalt  }
0x3e: {  	_ =	shalt  }
0x3f: {  	_ =	shalt  }
0x40: {  	_ =	shalt  }
0x41: {  	_ =	shalt  }
0x42: {  	_ =	shalt  }
0x43: {  	_ =	shalt  }
0x44: {  	_ =	shalt  }
0x45: {  	_ =	shalt  }
0x46: {  	_ =	shalt  }
0x47: {  	_ =	shalt  }
0x48: {  	_ =	shalt  }
0x49: {  	_ =	shalt  }
0x4a: {  	_ =	shalt  }
0x4b: {  	_ =	shalt  }
0x4c: {  	_ =	shalt  }
0x4d: {  	_ =	shalt  }
0x4e: {  	_ =	shalt  }
0x4f: {  	_ =	shalt  }
0x50: {  	_ =	shalt  }
0x51: {  	_ =	shalt  }
0x52: {  	_ =	shalt  }
0x53: {  	_ =	shalt  }
0x54: {  	_ =	shalt  }
0x55: {  	_ =	shalt  }
0x56: {  	_ =	shalt  }
0x57: {  	_ =	shalt  }
0x58: {  	_ =	shalt  }
0x59: {  	_ =	shalt  }
0x5a: {  	_ =	shalt  }
0x5b: {  	_ =	shalt  }
0x5c: {  	_ =	shalt  }
0x5d: {  	_ =	shalt  }
0x5e: {  	_ =	shalt  }
0x5f: {  	_ =	shalt  }
0x60: {  	_ =	shalt  }
0x61: {  	_ =	shalt  }
0x62: {  	_ =	shalt  }
0x63: {  	_ =	shalt  }
0x64: {  	_ =	shalt  }
0x65: {  	_ =	shalt  }
0x66: {  	_ =	shalt  }
0x67: {  	_ =	shalt  }
0x68: {  	_ =	shalt  }
0x69: {  	_ =	shalt  }
0x6a: {  	_ =	shalt  }
0x6b: {  	_ =	shalt  }
0x6c: {  	_ =	shalt  }
0x6d: {  	_ =	shalt  }
0x6e: {  	_ =	shalt  }
0x6f: {  	_ =	shalt  }
0x70: {  	_ =	shalt  }
0x71: {  	_ =	shalt  }
0x72: {  	_ =	shalt  }
0x73: {  	_ =	shalt  }
0x74: {  	_ =	shalt  }
0x75: {  	_ =	shalt  }
0x76: {  	_ =	shalt  }
0x77: {  	_ =	shalt  }
0x78: {  	_ =	shalt  }
0x79: {  	_ =	shalt  }
0x7a: {  	_ =	shalt  }
0x7b: {  	_ =	shalt  }
0x7c: {  	_ =	shalt  }
0x7d: {  	_ =	shalt  }
0x7e: {  	_ =	shalt  }
0x7f: {  	_ =	shalt  }
0x80: {  	_ =	shalt  }
0x81: {  	_ =	shalt  }
0x82: {  	_ =	shalt  }
0x83: {  	_ =	shalt  }
0x84: {  	_ =	shalt  }
0x85: {  	_ =	shalt  }
0x86: {  	_ =	shalt  }
0x87: {  	_ =	shalt  }
.Lfunc_end0:
.L_simem_size_0:
called_computation_lowered:
.L_overlay_start_0:
0x88: {  	s2 =	sld [smem:$0x3FD9]  }
0x89: {  	s3 =	sld [smem:$0x3FFE];
	_ =	sdelay $0x1  }
0x8a: {  	s1 =	srdreg.scid  }
0x8b: {  	s0 =	sand.u32 $0x1, s1  }
0x8c: {  	s14 =	sshll.u32 s0, $0xA;
	s2 =	sadd.s32 s3, s2  }
0x8d: {  	s2 =	sadd.s32 s2, s14  }
0x8e: {  	[smem:$0x3FC6] =	sst s2  }
0x8f: {  	_ = 	snop  }
0x90: {  	s2 =	sld [smem:$0x3FD0];
	_ =	sdelay $0x2  }
0x91: {  	s15 =	simm.s32 $0xA;
	s4 =	simm.s32 $0x10  }
0x92: {  	[smem:s4], [sflag:s15] =	dma.local [hbm:s2], $0x1  }
0x93: {  	_ =	swait.eq [sflag:s15], $0x1  }
0x94: {  	[sflag:s15] =	ssyncset.done $0x0  }
0x95: {  	s16 =	sld [smem:$0x11];
	[sflag:s15] =	ssyncadd.s32 $0xFFFFFFFF  }
0x96: {  	s17 =	sld [smem:$0x12];
	(tm) =	ssettm $0x1  }
0x97: {  	s18 =	sld [smem:$0x3FFB];
	_ =	sdelay $0x3  }
0x98: {  	_ =	strace s18  }
0x99: {  	s4 =	sld [smem:$0x3FFC];
	_ =	sdelay $0x3  }
0x9a: {  	_ =	strace s4  }
0x9b: {  	s4 =	sld [smem:$0x3FFD];
	_ =	sdelay $0x3  }
0x9c: {  	_ =	strace s4  }
0x9d: {  	_ =	strace $0x8FFFFFFF  }
0x9e: {  	s19 =	sld [smem:$0x3FDB];
	_ =	sdelay $0x1  }
0x9f: {  	s5 =	simm.s32 $_scs_section_size  }
0xa0: {  	s6 =	simm.s32 $_size__tile_overlayer_lowered;
	s7 =	simm.s32 $_tile_overlayer_lowered  }
0xa1: {  	s22 =	simm.s32 $0x1BFF;
	s21 =	sshll.u32 s7, $0x1;
	s4 =	sadd.s32 s5, s19  }
0xa2: {  	s8 =	simm.s32 $0x0;
	s20 =	sshll.u32 s6, $0x1;
	s6 =	sadd.s32 s21, s4  }
0xa3: {  	[timem:s8], [sflag:s22] =	dma.local [hbm:s6], s20  }
0xa4: {  	_ =	swait.ge [sflag:s22], s20  }
0xa5: {  	s5 =	ssub.s32 $0x0, s20;
	[sflag:s22] =	ssyncset.done $0x0  }
0xa6: {  	[sflag:s22] =	ssyncadd.s32 s5;
	_ =	sdelay $0x1  }
0xa7: {  	s23 =	simm.s32 $0x1B8B  }
0xa8: {  	_ =	swait.ge [sflag:s23], $0x1  }
0xa9: {  	[sflag:s23] =	ssyncset.done $0x0  }
0xaa: {  	s25 =	simm.s32 $0x1B8E;
	s24 =	sld [smem:$0x3FFE];
	[sflag:s23] =	ssyncadd.s32 $0xFFFFFFFF  }
0xab: {  	s26 =	simm.s32 $execute0_lowered;
	[smem:$0x3FD2] =	sst s25  }
0xac: {  	s6 =	sshll.u32 s26, $0x1;
	_ =	strace $0x80000046;
	[dreg:$0x1] =	wrdreg $0xFFFFFFFF  }
0xad: {  	s28 =	simm.s32 $_size_execute0_lowered;
	s4 =	sadd.s32 s4, s6;
	[dreg:$0x0] =	wrdreg $0x0  }
0xae: {  	s6 =	sshll.u32 s28, $0x1;
	[dreg:$0x2] =	wrdreg s4  }
0xaf: {  	[dreg:$0x3] =	wrdreg s6  }
0xb0: {  	[dreg:$0x4] =	wrdreg $0xC0  }
0xb1: {  	_ =	task [dreg:s8], $0x5FFFF  }
0xb2: {  	[dreg:$0x1] =	wrdreg $0xFFFFFFFF  }
0xb3: {  	[dreg:$0x0] =	wrdreg $0x60  }
0xb4: {  	[dreg:$0x2] =	wrdreg s16  }
0xb5: {  	[dreg:$0x3] =	wrdreg s24  }
0xb6: {  	[dreg:$0x4] =	wrdreg s17  }
0xb7: {  	[dreg:$0x5] =	wrdreg $0x11A500  }
0xb8: {  	[dreg:$0x6] =	wrdreg $0x132C00  }
0xb9: {  	[dreg:$0x7] =	wrdreg $0x14B300  }
0xba: {  	[dreg:$0x8] =	wrdreg $0x163A00  }
0xbb: {  	[dreg:$0x9] =	wrdreg $0xD1000  }
0xbc: {  	[dreg:$0xa] =	wrdreg $0xE9700  }
0xbd: {  	[dreg:$0xb] =	wrdreg $0x101E00  }
0xbe: {  	[dreg:$0xc] =	wrdreg $0x9  }
0xbf: {  	_ =	task.clear_ibuf [dreg:s8], $0xDFFFF;
	_ =	strace $0x90000046  }
0xc0: {  	s29 =	simm.s32 $0x9;
	_ =	strace $0x80000048  }
0xc1: {  	_ =	swait.ge [sflag:s29], $0x1  }
0xc2: {  	[sflag:s29] =	ssyncadd.s32 $0xFFFFFFFF  }
0xc3: {  	_ =	strace $0x90000048  }
0xc4: {  	_ =	sfence  }
0xc5: {  	s30 =	sld [smem:$0x0];
	_ =	sdelay $0x2  }
0xc6: {  	s31 =	sshll.u32 s1, $0xD;
	s1 =	sshrl.u32 s1, $0x2  }
0xc7: {  	s3 =	sand.u32 $0x4000, s31;
	s1 =	sadd.s32 s1, s30  }
0xc8: {  	s0 =	sor.u32 s3, s0;
	s1 =	sshll.u32 s1, $0x11  }
0xc9: {  	s0 =	sor.u32 s1, s0  }
0xca: {  	s0 =	sadd.s32 $0x8F2B, s0  }
0xcb: {  	[sflag:s0] =	ssyncadd.remote.s32 $0x1  }
0xcc: {  	_ =	sfence.sel $0xFFFF  }
0xcd: {  	[dreg:$0x0] =	wrdreg $0xFFFFFFFF;
	(pc) =	sbr.abs _section_cstart, $3  }
0xce: {  	[dreg:$0x1] =	wrdreg $0xFFFFFFFF  }
0xcf: {  	_ =	task.clear_ibuf [dreg:s8], $0x2FFFF;
	_ =	strace $0x9FFFFFFF  }
0xd0: {  	(tm) =	ssettm $0x7FFFFFFF  }
0xd1: {  	_ =	shalt  }
tec
execute0_lowered:
.L_overlay_start_1:
0x0: {  	(tag) =	ssettag $0x1  }
0x1: {  	s1 =	rddreg [dreg:$0x0]  }
0x2: {  	s6 =	rddreg [dreg:$0x1]  }
0x3: {  	s12 =	rddreg [dreg:$0x2]  }
0x4: {  	s0 =	rddreg [dreg:$0x3]  }
0x5: {  	s2 =	rddreg [dreg:$0x4]  }
0x6: {  	s3 =	rddreg [dreg:$0x5]  }
0x7: {  	s4 =	rddreg [dreg:$0x6]  }
0x8: {  	s5 =	rddreg [dreg:$0x7]  }
0x9: {  	s7 =	rddreg [dreg:$0x8]  }
0xa: {  	s8 =	rddreg [dreg:$0x9]  }
0xb: {  	s10 =	srdreg.scid;
	s16 =	stileid.u32  }
0xc: {  	s9 =	simm.s32 $0x0;
	s28 =	simm.s32 $0xB000;
	s29 =	simm.s32 $0x5  }
0xd: {  	s30 =	simm.s32 $0x4;
	s13 =	sand.u32 $0x1, s10;
	s14 =	smul.u32 $0x1870, s16  }
0xe: {  	[smem:$0x7FF] =	sst s9;
	s16 =	sshll.u32 s16, $0x1;
	s15 =	smul.u32 $0x18700, s13  }
0xf: {  	_ =	strace $0x80000047;
	s16 =	sor.u32 s13, s16;
	s20 =	sadd.s32 s14, s4  }
0x10: {  	s13 =	ssub.s32 $0x2, s13;
	s21 =	sadd.s32 s14, s7;
	[dreg:$0xe] =	wrdreg s20  }
0x11: {  	s18 =	sshll.u32 s16, $0x1;
	s24 =	sadd.s32 s14, s8;
	[dreg:$0x13] =	wrdreg s21  }
0x12: {  	s19 =	sshrl.u32 s13, $0x1;
	s22 =	sadd.s32 s14, s0;
	[dreg:$0x14] =	wrdreg s24  }
0x13: {  	s23 =	sadd.s32 s14, s2;
	s31 =	sadd.s32 s14, s3;
	[dreg:$0xb] =	wrdreg s22  }
0x14: {  	s26 =	sshrl.u32 s14, $0x3;
	s15 =	sadd.s32 s14, s15;
	[dreg:$0xc] =	wrdreg s23  }
0x15: {  	s18 =	sadd.s32 s18, s6;
	s1 =	sadd.s32 s1, s26;
	[dreg:$0xd] =	wrdreg s31  }
0x16: {  	s13 =	ssub.s32 s13, s19;
	s19 =	sadd.s32 s14, s5;
	[dreg:$0xf] =	wrdreg s1  }
0x17: {  	s15 =	sshrl.u32 s15, $0x3;
	[dreg:$0x11] =	wrdreg s19;
	s24 =	sadd.s32 $0x18D000, s18  }
0x18: {  	s1 =	smul.u32 $0x30D40, s16;
	s16 =	sadd.s32 s6, s26;
	[dreg:$0x1c] =	wrdreg s24  }
0x19: {  	s10 =	sadd.s32 $0xC9A00, s6;
	s20 =	sadd.s32 s12, s15;
	[dreg:$0x10] =	wrdreg s16  }
0x1a: {  	s17 =	sadd.s32 s15, s6;
	[dreg:$0x12] =	wrdreg s20;
	s26 =	sadd.s32 $0x7D0, s1  }
0x1b: {  	s25 =	sshrl.u32 s1, $0x3;
	s1 =	sadd.s32 $0xFA0, s1;
	[dreg:$0x15] =	wrdreg s26  }
0x1c: {  	s11 =	sadd.s32 $0x6400, s6;
	s19 =	sadd.s32 $0x18D200, s17;
	[dreg:$0x16] =	wrdreg s1  }
0x1d: {  	s18 =	simm.s32 $0x800;
	s20 =	sadd.s32 $0x193400, s17;
	[dreg:$0x19] =	wrdreg s19  }
0x1e: {  	s24 =	simm.s32 $0x1000;
	s21 =	sadd.s32 $0x199600, s17;
	[dreg:$0x1a] =	wrdreg s20  }
0x1f: {  	s12 =	simm.s32 $0x8000;
	s14 =	sadd.s32 s10, s25;
	[dreg:$0x1b] =	wrdreg s21  }
0x20: {  	s6 =	simm.s32 $0xA800;
	s15 =	sadd.s32 s11, s25;
	[dreg:$0x17] =	wrdreg s14  }
0x21: {  	s25 =	smax.u32 s13, $0x1;
	s26 =	sadd.s32 $0x3200, s16;
	[dreg:$0x18] =	wrdreg s15  }
0x22: {  	s20 =	simm.s32 $0x7D0;
	s21 =	simm.s32 $0x3;
	[dreg:$0x1d] =	wrdreg s25  }
0x23: {  	s13 =	simm.s32 $0x0;
	[dreg:$0x1e] =	wrdreg s26;
	s14 =	simm.s32 $0xB880  }
0x24: {  	v0 =	vimm.f32 $0.0e+00;
	s15 =	simm.s32 $0x6;
	s25 =	simm.s32 $0x1800;
	s26 =	simm.s32 $0x2  }
.LBB2_1:
0x25: {  	[dreg:$0x1f] =	wrdreg s13;
	s1 =	simm.s32 $0x40;
	s13 =	simm.s32 $0x0  }
.LBB2_2:
0x26: {  	p0 =	sne.s32 s1, $0x6180;
	[tilespmem:s13+$0xB880] =	vst v0;
	s13 =	smov.u32 s1;
	s1 =	sadd.s32 $0x40, s1  }
.Ltmp0:
0x27: {  	(pc) =	sbr.rel @p0 .LBB2_2-.Ltmp0, $2  }
0x28: {  	_ =	sdelay $0x2  }
0x29: {  	s13 =	sshra.s32 s13, $0x2  }
0x2a: {  	[tilespmem:s13+$0xB880] =	vst v0  }
0x2b: {  	[spmem:s22] =	stream.linear.scatter [tilespmem:s14], [sflag:$0x6], $0x1870, $0x38;
	[tilespmem:$0x17C10] =	vst v63  }
0x2c: {  	_ =	swait.ge [sflag:s15], $0x1870  }
0x2d: {  	[sflag:s15] =	ssyncset.done $0x0  }
0x2e: {  	[sflag:s15] =	ssyncadd.s32 $0xFFFFE790  }
0x2f: {  	[spmem:s23] =	stream.linear.scatter [tilespmem:s14], [sflag:$0x6], $0x1870, $0x38;
	[tilespmem:$0x17C10] =	vst v63  }
0x30: {  	_ =	swait.ge [sflag:s15], $0x1870  }
0x31: {  	[sflag:s15] =	ssyncset.done $0x0  }
0x32: {  	[sflag:s15] =	ssyncadd.s32 $0xFFFFE790  }
0x33: {  	[spmem:s31] =	stream.linear.scatter [tilespmem:s14], [sflag:$0x6], $0x1870, $0x38;
	[tilespmem:$0x17C10] =	vst v63  }
0x34: {  	_ =	swait.ge [sflag:s15], $0x1870  }
0x35: {  	[sflag:s15] =	ssyncset.done $0x0  }
0x36: {  	s1 =	rddreg [dreg:$0xe];
	[sflag:s15] =	ssyncadd.s32 $0xFFFFE790  }
0x37: {  	[spmem:s1] =	stream.linear.scatter [tilespmem:s14], [sflag:$0x6], $0x1870, $0x38;
	[tilespmem:$0x17C10] =	vst v63  }
0x38: {  	_ =	swait.ge [sflag:s15], $0x1870  }
0x39: {  	[sflag:s15] =	ssyncset.done $0x0  }
0x3a: {  	s31 =	simm.s32 $0x0;
	s23 =	rddreg [dreg:$0xf];
	[sflag:s15] =	ssyncadd.s32 $0xFFFFE790  }
0x3b: {  	[tilespmem:s14], [sflag:$0x6] =	stream.linear.gather [hbm4b:s23+s31], $0x1870, $0x38;
	[tilespmem:$0x17C10] =	vst v63  }
0x3c: {  	_ =	swait.ge [sflag:s15], $0x1870  }
0x3d: {  	[sflag:s15] =	ssyncset.done $0x0  }
0x3e: {  	s13 =	rddreg [dreg:$0x11];
	[sflag:s15] =	ssyncadd.s32 $0xFFFFE790  }
0x3f: {  	[spmem:s13] =	stream.linear.scatter [tilespmem:s14], [sflag:$0x6], $0x1870, $0x38;
	[tilespmem:$0x17C10] =	vst v63  }
0x40: {  	_ =	swait.ge [sflag:s15], $0x1870  }
0x41: {  	[sflag:s15] =	ssyncset.done $0x0  }
0x42: {  	s16 =	rddreg [dreg:$0x1e];
	[sflag:s15] =	ssyncadd.s32 $0xFFFFE790  }
0x43: {  	[tilespmem:s14], [sflag:$0x6] =	stream.linear.gather [hbm4b:s16+s31], $0x1870, $0x38;
	[tilespmem:$0x17C10] =	vst v63  }
0x44: {  	_ =	swait.ge [sflag:s15], $0x1870  }
0x45: {  	[sflag:s15] =	ssyncset.done $0x0  }
0x46: {  	s17 =	rddreg [dreg:$0x13];
	[sflag:s15] =	ssyncadd.s32 $0xFFFFE790  }
0x47: {  	[spmem:s17] =	stream.linear.scatter [tilespmem:s14], [sflag:$0x6], $0x1870, $0x38;
	[tilespmem:$0x17C10] =	vst v63  }
0x48: {  	_ =	swait.ge [sflag:s15], $0x1870  }
0x49: {  	[sflag:s15] =	ssyncset.done $0x0  }
0x4a: {  	s19 =	rddreg [dreg:$0x10];
	[sflag:s15] =	ssyncadd.s32 $0xFFFFE790  }
0x4b: {  	[tilespmem:s14], [sflag:$0x6] =	stream.linear.gather [hbm4b:s19+s31], $0x1870, $0x38;
	[tilespmem:$0x17C10] =	vst v63  }
0x4c: {  	_ =	swait.ge [sflag:s15], $0x1870  }
0x4d: {  	[sflag:s15] =	ssyncset.done $0x0  }
0x4e: {  	s22 =	rddreg [dreg:$0x14];
	[sflag:s15] =	ssyncadd.s32 $0xFFFFE790  }
0x4f: {  	[spmem:s22] =	stream.linear.scatter [tilespmem:s14], [sflag:$0x6], $0x1870, $0x38;
	[tilespmem:$0x17C10] =	vst v63  }
0x50: {  	_ =	swait.ge [sflag:s15], $0x1870  }
0x51: {  	[sflag:s15] =	ssyncset.done $0x0  }
0x52: {  	[sflag:s15] =	ssyncadd.s32 $0xFFFFE790  }
0x53: {  	[bflag:$0x0] =	sbarrier.arrive $0xFFFF  }
0x54: {  	s23 =	rddreg [dreg:$0x17]  }
0x55: {  	[tilespmem:s31], [sflag:$0x1] =	stream.linear.gather [hbm4b:s23+s31], $0x7D0, $0x38;
	[tilespmem:$0x17C10] =	vst v63  }
0x56: {  	s14 =	simm.s32 $0x1;
	s13 =	rddreg [dreg:$0x18]  }
0x57: {  	[tilespmem:s18], [sflag:$0x1] =	stream.linear.gather [hbm4b:s13+s31], $0x7D0, $0x38;
	[tilespmem:$0x17C10] =	vst v63  }
0x58: {  	_ =	swait.ge [sflag:s14], $0x7D0  }
0x59: {  	[sflag:s14] =	ssyncset.done $0x0  }
0x5a: {  	[sflag:s14] =	ssyncadd.s32 $0xFFFFF830  }
0x5b: {  	_ =	swait.ge [sflag:s14], $0x7D0  }
0x5c: {  	[sflag:s14] =	ssyncset.done $0x0  }
0x5d: {  	s15 =	simm.s32 $0x2000;
	[sflag:s14] =	ssyncadd.s32 $0xFFFFF830  }
0x5e: {  	[tilespmem:s15], [sflag:$0x3] =	stream.indirect.gather [spmem:s5], $0x1, s31, s20, $0xb8;
	[tilespmem:$0x17C10] =	vst v63  }
0x5f: {  	s16 =	simm.s32 $0x2800  }
0x60: {  	[tilespmem:s16], [sflag:$0x3] =	stream.indirect.gather [spmem:s7], $0x1, s31, s20, $0xb8;
	[tilespmem:$0x17C10] =	vst v63  }
0x61: {  	s17 =	simm.s32 $0x3000  }
0x62: {  	[tilespmem:s17], [sflag:$0x3] =	stream.indirect.gather [spmem:s8], $0x1, s31, s20, $0xb8;
	[tilespmem:$0x17C10] =	vst v63  }
0x63: {  	s19 =	simm.s32 $0x3800  }
0x64: {  	[tilespmem:s19], [sflag:$0x3] =	stream.indirect.gather [spmem:s5], $0x1, s18, s20, $0xb8;
	[tilespmem:$0x17C10] =	vst v63  }
0x65: {  	s22 =	simm.s32 $0x4000  }
0x66: {  	[tilespmem:s22], [sflag:$0x3] =	stream.indirect.gather [spmem:s7], $0x1, s18, s20, $0xb8;
	[tilespmem:$0x17C10] =	vst v63  }
0x67: {  	s1 =	simm.s32 $0x0;
	s23 =	simm.s32 $0x4800  }
0x68: {  	v1 =	vimm.f32 $0.0e+00;
	[tilespmem:s23], [sflag:$0x3] =	stream.indirect.gather [spmem:s8], $0x1, s18, s20, $0xb8;
	[tilespmem:$0x17C10] =	vst v63  }
.LBB2_4:
0x69: {  	_ =	swait.ge [sflag:s21], $0x7D0  }
0x6a: {  	[sflag:s21] =	ssyncset.done $0x0  }
0x6b: {  	[sflag:s21] =	ssyncadd.s32 $0xFFFFF830  }
0x6c: {  	_ =	swait.ge [sflag:s21], $0x7D0  }
0x6d: {  	[sflag:s21] =	ssyncset.done $0x0  }
0x6e: {  	[sflag:s21] =	ssyncadd.s32 $0xFFFFF830  }
0x6f: {  	_ =	swait.ge [sflag:s21], $0x7D0  }
0x70: {  	[sflag:s21] =	ssyncset.done $0x0  }
0x71: {  	[sflag:s21] =	ssyncadd.s32 $0xFFFFF830  }
0x72: {  	_ =	swait.ge [sflag:s21], $0x7D0  }
0x73: {  	[sflag:s21] =	ssyncset.done $0x0  }
0x74: {  	[sflag:s21] =	ssyncadd.s32 $0xFFFFF830  }
0x75: {  	_ =	swait.ge [sflag:s21], $0x7D0  }
0x76: {  	[sflag:s21] =	ssyncset.done $0x0  }
0x77: {  	[sflag:s21] =	ssyncadd.s32 $0xFFFFF830  }
0x78: {  	s17 =	smul.u32 $0xFA0, s1;
	_ =	swait.ge [sflag:s21], $0x7D0  }
0x79: {  	s13 =	rddreg [dreg:$0x15]  }
0x7a: {  	s13 =	sadd.s32 s17, s13  }
0x7b: {  	[sflag:s21] =	ssyncset.done $0x0;
	s13 =	sshrl.u32 s13, $0x3  }
0x7c: {  	[sflag:s21] =	ssyncadd.s32 $0xFFFFF830;
	s14 =	sadd.s32 s10, s13  }
0x7d: {  	[tilespmem:s24], [sflag:$0x2] =	stream.linear.gather [hbm4b:s14+s31], $0x7D0, $0x38;
	[tilespmem:$0x17C10] =	vst v63  }
0x7e: {  	s13 =	sadd.s32 s11, s13  }
0x7f: {  	[tilespmem:s25], [sflag:$0x2] =	stream.linear.gather [hbm4b:s13+s31], $0x7D0, $0x38;
	[tilespmem:$0x17C10] =	vst v63  }
0x80: {  	_ =	swait.ge [sflag:s26], $0x7D0  }
0x81: {  	[sflag:s26] =	ssyncset.done $0x0  }
0x82: {  	[sflag:s26] =	ssyncadd.s32 $0xFFFFF830  }
0x83: {  	_ =	swait.ge [sflag:s26], $0x7D0  }
0x84: {  	[sflag:s26] =	ssyncset.done $0x0  }
0x85: {  	s14 =	simm.s32 $0x5000;
	[sflag:s26] =	ssyncadd.s32 $0xFFFFF830  }
0x86: {  	[tilespmem:s14], [sflag:$0x4] =	stream.indirect.gather [spmem:s5], $0x1, s24, s20, $0xb8;
	[tilespmem:$0x17C10] =	vst v63  }
0x87: {  	s15 =	simm.s32 $0x5800  }
0x88: {  	[tilespmem:s15], [sflag:$0x4] =	stream.indirect.gather [spmem:s7], $0x1, s24, s20, $0xb8;
	[tilespmem:$0x17C10] =	vst v63  }
0x89: {  	s16 =	simm.s32 $0x6000  }
0x8a: {  	[tilespmem:s16], [sflag:$0x4] =	stream.indirect.gather [spmem:s8], $0x1, s24, s20, $0xb8;
	[tilespmem:$0x17C10] =	vst v63  }
0x8b: {  	s19 =	simm.s32 $0x6800  }
0x8c: {  	[tilespmem:s19], [sflag:$0x4] =	stream.indirect.gather [spmem:s5], $0x1, s25, s20, $0xb8;
	[tilespmem:$0x17C10] =	vst v63  }
0x8d: {  	s22 =	simm.s32 $0x7000  }
0x8e: {  	[tilespmem:s22], [sflag:$0x4] =	stream.indirect.gather [spmem:s7], $0x1, s25, s20, $0xb8;
	[tilespmem:$0x17C10] =	vst v63  }
0x8f: {  	s23 =	simm.s32 $0x7800  }
0x90: {  	[tilespmem:s23], [sflag:$0x4] =	stream.indirect.gather [spmem:s8], $0x1, s25, s20, $0xb8;
	[tilespmem:$0x17C10] =	vst v63  }
0x91: {  	s23 =	simm.s32 $0x0  }
0x92: {  	v2 =	vld [tilespmem:s23+$0x3800]  }
0x93: {  	v3 =	vld [tilespmem:s23+$0x2000]  }
0x94: {  	v4 =	vld [tilespmem:s23+$0x4000]  }
0x95: {  	v5 =	vld [tilespmem:s23+$0x2800]  }
0x96: {  	v6 =	vld [tilespmem:s23+$0x4800]  }
0x97: {  	v7 =	vld [tilespmem:s23+$0x3000];
	_ =	sdelay $0x2  }
0x98: {  	v16 =	vsub.f32 v2, v3;
	v10 =	vsub.f32 v4, v5;
	_ =	sdelay $0x1  }
0x99: {  	v21 =	vsub.f32 v6, v7;
	v2 =	vmul.f32 v16, v16;
	v3 =	vmul.f32 v10, v10;
	_ =	sdelay $0x1  }
0x9a: {  	v4 =	vmul.f32 v21, v21;
	v2 =	vadd.f32 v3, v2;
	_ =	sdelay $0x1  }
0x9b: {  	v6 =	vadd.f32 v4, v2  }
0x9c: {  	s22 =	simm.s32 $0x10  }
0x9d: {  	v8 =	vld [tilespmem:s22+$0x4000];
	v2 =	vshra.s32 v6, $0x1;
	v3 =	vmul.f32 $5.000000000e-01, v6  }
0x9e: {  	v5 =	vld [tilespmem:s22+$0x2000];
	v2 =	vsub.s32 $0x5F3759DF, v2  }
0x9f: {  	v4 =	vld [tilespmem:s22+$0x3800];
	v7 =	vmul.f32 v2, v3  }
0xa0: {  	v9 =	vld [tilespmem:s22+$0x2800]  }
0xa1: {  	v11 =	vld [tilespmem:s22+$0x4800];
	v7 =	vmul.f32 v2, v7  }
0xa2: {  	v12 =	vld [tilespmem:s22+$0x3000]  }
0xa3: {  	v7 =	vsub.f32 $1.500000000e+00, v7  }
0xa4: {  	v5 =	vsub.f32 v4, v5  }
0xa5: {  	v7 =	vmul.f32 v2, v7;
	v2 =	vsub.f32 v8, v9  }
0xa6: {  	v8 =	vmul.f32 v5, v5  }
0xa7: {  	v9 =	vsub.f32 v11, v12;
	v4 =	vmul.f32 v7, v3;
	v11 =	vmul.f32 v2, v2;
	_ =	sdelay $0x1  }
0xa8: {  	v12 =	vmul.f32 v9, v9;
	v4 =	vmul.f32 v4, v7;
	v8 =	vadd.f32 v11, v8;
	_ =	sdelay $0x1  }
0xa9: {  	s16 =	simm.s32 $0x20;
	v4 =	vsub.f32 $1.500000000e+00, v4;
	v14 =	vadd.f32 v12, v8  }
0xaa: {  	v15 =	vld [tilespmem:s16+$0x4000]  }
0xab: {  	v17 =	vld [tilespmem:s16+$0x2800];
	v7 =	vmul.f32 v4, v7;
	v4 =	vshra.s32 v14, $0x1;
	v12 =	vmul.f32 $5.000000000e-01, v14  }
0xac: {  	v11 =	vld [tilespmem:s16+$0x2000];
	v13 =	vsub.s32 $0x5F3759DF, v4  }
0xad: {  	v8 =	vld [tilespmem:s16+$0x3800];
	v3 =	vmul.f32 v7, v3;
	v4 =	vmul.f32 v13, v12  }
0xae: {  	v18 =	vld [tilespmem:s16+$0x4800]  }
0xaf: {  	v19 =	vld [tilespmem:s16+$0x3000];
	v3 =	vmul.f32 v3, v7;
	v4 =	vmul.f32 v13, v4;
	_ =	sdelay $0x1  }
0xb0: {  	v20 =	vsub.f32 $1.500000000e+00, v3;
	v22 =	vsub.f32 $1.500000000e+00, v4  }
0xb1: {  	v4 =	vsub.f32 v8, v11;
	v3 =	vsub.f32 v15, v17  }
0xb2: {  	v23 =	vmul.f32 v20, v7;
	v7 =	vmul.f32 v13, v22  }
0xb3: {  	v8 =	vsub.f32 v18, v19;
	v11 =	vmul.f32 v4, v4;
	v13 =	vmul.f32 v3, v3  }
0xb4: {  	v15 =	vmul.f32 v23, v6;
	v17 =	vmul.f32 v7, v12  }
0xb5: {  	vm0 =	vgt.f32 v6, $0.0e+00;
	v6 =	vmul.f32 v8, v8;
	v11 =	vadd.f32 v13, v11  }
0xb6: {  	v18 =	vnsel vm0, $0x0, v15;
	v13 =	vmul.f32 v17, v7  }
0xb7: {  	v11 =	vadd.f32 v6, v11;
	v15 =	vadd.f32 $-1.000000000e+00, v18  }
0xb8: {  	s13 =	simm.s32 $0x30;
	v6 =	vsub.f32 $1.500000000e+00, v13  }
0xb9: {  	v24 =	vld [tilespmem:s13+$0x2800];
	v17 =	vshra.s32 v11, $0x1;
	v25 =	vmul.f32 $5.000000000e-01, v11;
	v15 =	vmul.f32 $-5.000000000e+00, v15  }
0xba: {  	v26 =	vld [tilespmem:s13+$0x3000];
	v17 =	vsub.s32 $0x5F3759DF, v17;
	v20 =	vmul.f32 v6, v7  }
0xbb: {  	v19 =	vld [tilespmem:s13+$0x3800];
	v22 =	vmul.f32 v17, v25;
	v7 =	vmul.f32 $1.442695020e+00, v15  }
0xbc: {  	v6 =	vld [tilespmem:s13+$0x2000];
	v12 =	vmul.f32 v20, v12  }
0xbd: {  	v15 =	vld [tilespmem:s13+$0x4000];
	(erf) = vpow2.f32 v7;
	v7 =	vmul.f32 v17, v22  }
0xbe: {  	v13 =	vld [tilespmem:s13+$0x4800]  }
0xbf: {  	v12 =	vmul.f32 v12, v20;
	v22 =	vsub.f32 $1.500000000e+00, v7;
	_ =	sdelay $0x1  }
0xc0: {  	v7 =	vsub.f32 v19, v6;
	v19 =	vsub.f32 $1.500000000e+00, v12;
	v22 =	vmul.f32 v17, v22  }
0xc1: {  	v6 =	vsub.f32 v15, v24  }
0xc2: {  	v12 =	vsub.f32 v13, v26;
	v13 =	vmul.f32 v19, v20;
	v19 =	vmul.f32 v22, v25;
	_ =	sdelay $0x1  }
0xc3: {  	v15 =	vmul.f32 v7, v7;
	v17 =	vmul.f32 v6, v6  }
0xc4: {  	vm1 =	vgt.f32 v14, $0.0e+00;
	v20 =	vmul.f32 v13, v14  }
0xc5: {  	v24 =	vmul.f32 v12, v12;
	v15 =	vadd.f32 v17, v15;
	v17 =	vmul.f32 v19, v22;
	v19 =	vpop (erf)  }
0xc6: {  	v14 =	vnsel vm1, $0x0, v20;
	v20 =	vsub.f32 $1.000000000e+00, v19;
	v19 =	vmul.f32 $-5.000000000e+01, v19  }
0xc7: {  	vm0 =	vmmov vm0;
	v15 =	vadd.f32 v24, v15;
	v24 =	vadd.f32 $-1.000000000e+00, v14  }
0xc8: {  	s14 =	simm.s32 $0x40;
	vm2 =	vlt.f32 v18, $2.500000000e+00;
	v26 =	vsub.f32 $1.500000000e+00, v17;
	v27 =	vmul.f32 v20, v19  }
0xc9: {  	v18 =	vld [tilespmem:s14+$0x4800];
	vm0 =	vmand vm0, vm2;
	v28 =	vshra.s32 v15, $0x1;
	v29 =	vmul.f32 $-5.000000000e+00, v24  }
0xca: {  	v17 =	vld [tilespmem:s14+$0x3800];
	v22 =	vmul.f32 v26, v22;
	v19 =	vmul.f32 $5.000000000e-01, v15;
	v26 =	vnsel vm0, $0x0, v27  }
0xcb: {  	v24 =	vsub.s32 $0x5F3759DF, v28;
	v28 =	vld [tilespmem:s14+$0x4000];
	v30 =	vmul.f32 $1.442695020e+00, v29;
	v23 =	vmul.f32 v26, v23  }
0xcc: {  	v25 =	vmul.f32 v22, v25;
	v27 =	vld [tilespmem:s14+$0x2000];
	v26 =	vmul.f32 v24, v19  }
0xcd: {  	v29 =	vld [tilespmem:s14+$0x2800];
	(erf) = vpow2.f32 v30;
	v33 =	vmul.f32 v23, v21  }
0xce: {  	vm1 =	vmmov vm1;
	v30 =	vld [tilespmem:s14+$0x3000];
	v32 =	vmul.f32 v24, v26;
	v26 =	vmul.f32 $5.000000000e+00, v20  }
0xcf: {  	s15 =	simm.s32 $0x140;
	v31 =	vmul.f32 v25, v22;
	v21 =	vmul.f32 v23, v16;
	v25 =	vsub.f32 $0.0e+00, v33;
	[tilespmem:s23+$0xB000] =	vst v33  }
.LBB2_5:
0xd0: {  	p0 =	sne.s32 s15, $0x1F00;
	v16 =	vsub.f32 $1.500000000e+00, v32;
	v20 =	vmul.f32 v26, v20;
	v26 =	vmul.f32 v23, v10;
	v33 =	vmovc v4;
	v4 =	vmovc v7  }
0xd1: {  	v7 =	vsub.f32 v17, v27;
	v10 =	vmovc v2;
	v2 =	vmovc v3;
	v3 =	vmov v6;
	v17 =	vsub.f32 $1.500000000e+00, v31;
	[tilespmem:s23+$0x9800] =	vst v25  }
0xd2: {  	v6 =	vsub.f32 v28, v29;
	v16 =	vmul.f32 v24, v16;
	v20 =	vadd.f32 $-5.000000000e+00, v20;
	[tilespmem:s23+$0xA000] =	vst v21  }
0xd3: {  	v25 =	vsub.f32 v18, v30;
	v18 =	vmul.f32 v7, v7;
	v29 =	vmul.f32 v17, v22;
	[tilespmem:s23+$0xA800] =	vst v26  }
0xd4: {  	v17 =	vmul.f32 v6, v6;
	v22 =	vmul.f32 v16, v19;
	v30 =	vnsel vm0, $0x0, v20  }
0xd5: {  	v21 =	vsub.f32 $0.0e+00, v21;
	v23 =	vmul.f32 v25, v25;
	v20 =	vmul.f32 v29, v11  }
0xd6: {  	vm2 =	vgt.f32 v11, $0.0e+00;
	v17 =	vadd.f32 v17, v18;
	v18 =	vmul.f32 v22, v16;
	v11 =	vpop (erf)  }
0xd7: {  	v22 =	vnsel vm2, $0x0, v20;
	v20 =	vsub.f32 $1.000000000e+00, v11;
	v24 =	vmul.f32 $-5.000000000e+01, v11;
	[tilespmem:s23+$0x8800] =	vst v21;
	v11 =	vmovc v15  }
0xd8: {  	v21 =	vmul.f32 $5.000000000e-01, v30;
	v15 =	vadd.f32 v23, v17;
	v17 =	vadd.f32 $-1.000000000e+00, v22  }
0xd9: {  	s19 =	sshra.s32 s15, $0x2;
	vm0 =	vlt.f32 v14, $2.500000000e+00;
	v23 =	vsub.f32 $1.500000000e+00, v18;
	v14 =	vmovc v22;
	v24 =	vmul.f32 v20, v24  }
0xda: {  	vm0 =	vmand vm1, vm0;
	v18 =	vld [tilespmem:s19+$0x4800];
	v28 =	vshra.s32 v15, $0x1;
	v31 =	vmul.f32 $-5.000000000e+00, v17;
	[tilespmem:s23+$0x8000] =	vst v21  }
0xdb: {  	v21 =	vmul.f32 $5.000000000e-01, v15;
	v22 =	vmul.f32 v23, v16;
	v17 =	vld [tilespmem:s19+$0x3800];
	v16 =	vnsel vm0, $0x0, v24  }
.Ltmp1:
0xdc: {  	v24 =	vsub.s32 $0x5F3759DF, v28;
	v27 =	vld [tilespmem:s19+$0x2000];
	v31 =	vmul.f32 $1.442695020e+00, v31;
	v23 =	vmul.f32 v16, v13;
	(pc) =	sbr.rel @p0 .LBB2_5-.Ltmp1, $4  }
0xdd: {  	v35 =	vsub.f32 $0.0e+00, v26;
	v16 =	vmul.f32 v24, v21;
	v34 =	vmul.f32 v22, v19;
	v13 =	vmovc v29;
	v19 =	vmovc v21;
	v28 =	vld [tilespmem:s19+$0x4000]  }
0xde: {  	v1 =	vadd.f32 v30, v1;
	v29 =	vld [tilespmem:s19+$0x2800];
	(erf) = vpow2.f32 v31;
	v36 =	vmul.f32 v23, v9;
	v9 =	vmovc v8;
	v8 =	vmovc v12  }
0xdf: {  	vm1 =	vmmov vm2;
	v26 =	vmul.f32 $5.000000000e+00, v20;
	v32 =	vmul.f32 v24, v16;
	v12 =	vmovc v25;
	v30 =	vld [tilespmem:s19+$0x3000];
	[tilespmem:s23+$0x9000] =	vst v35;
	s23 =	smov.u32 s22;
	s22 =	smov.u32 s16;
	s16 =	smov.u32 s13  }
0xe0: {  	s15 =	sadd.s32 $0x40, s15;
	v31 =	vmul.f32 v34, v22;
	v21 =	vmul.f32 v23, v5;
	v5 =	vmovc v33;
	s13 =	smov.u32 s14;
	s14 =	smov.u32 s19;
	v25 =	vsub.f32 $0.0e+00, v36;
	[tilespmem:s23+$0xB000] =	vst v36  }
0xe1: {  	_ =	sdelay $0x1  }
0xe2: {  	v17 =	vsub.f32 v17, v27;
	v16 =	vsub.f32 v28, v29;
	_ =	sdelay $0x1  }
0xe3: {  	v27 =	vmul.f32 v17, v17;
	v18 =	vsub.f32 v18, v30;
	v28 =	vmul.f32 v16, v16;
	_ =	sdelay $0x1  }
0xe4: {  	v29 =	vmul.f32 v18, v18;
	v27 =	vadd.f32 v28, v27;
	_ =	sdelay $0x1  }
0xe5: {  	v27 =	vadd.f32 v29, v27  }
0xe6: {  	v28 =	vsub.f32 $1.500000000e+00, v32  }
0xe7: {  	v29 =	vshra.s32 v27, $0x1;
	v30 =	vmul.f32 $5.000000000e-01, v27  }
0xe8: {  	v24 =	vmul.f32 v24, v28;
	v28 =	vsub.s32 $0x5F3759DF, v29  }
0xe9: {  	v29 =	vmul.f32 v28, v30  }
0xea: {  	v63 =	vmul.f32 v24, v19  }
0xeb: {  	v29 =	vmul.f32 v28, v29  }
0xec: {  	v32 =	vmul.f32 v63, v24  }
0xed: {  	v29 =	vsub.f32 $1.500000000e+00, v29  }
0xee: {  	v31 =	vsub.f32 $1.500000000e+00, v31;
	v32 =	vsub.f32 $1.500000000e+00, v32  }
0xef: {  	v28 =	vmul.f32 v28, v29  }
0xf0: {  	v22 =	vmul.f32 v31, v22;
	v24 =	vmul.f32 v32, v24  }
0xf1: {  	v29 =	vmul.f32 v28, v30  }
0xf2: {  	v31 =	vmul.f32 v22, v11;
	v19 =	vmul.f32 v24, v19  }
0xf3: {  	vm3 =	vgt.f32 v11, $0.0e+00;
	v29 =	vmul.f32 v29, v28  }
0xf4: {  	v11 =	vmul.f32 v19, v24;
	v19 =	vnsel vm3, $0x0, v31  }
0xf5: {  	v31 =	vadd.f32 $-1.000000000e+00, v19;
	v29 =	vsub.f32 $1.500000000e+00, v29  }
0xf6: {  	v20 =	vmul.f32 v26, v20;
	v10 =	vmul.f32 v23, v10;
	v11 =	vsub.f32 $1.500000000e+00, v11  }
0xf7: {  	v26 =	vpop (erf);
	v28 =	vmul.f32 v29, v28;
	v29 =	vmul.f32 $-5.000000000e+00, v31  }
0xf8: {  	v23 =	vsub.f32 $1.000000000e+00, v26;
	v26 =	vmul.f32 $-5.000000000e+01, v26;
	v24 =	vmul.f32 v11, v24  }
0xf9: {  	v11 =	vmul.f32 v28, v30;
	v29 =	vmul.f32 $1.442695020e+00, v29  }
0xfa: {  	vm4 =	vlt.f32 v14, $2.500000000e+00;
	v14 =	vmul.f32 v23, v26;
	v30 =	vmul.f32 v24, v15  }
0xfb: {  	vm2 =	vgt.f32 v15, $0.0e+00;
	v11 =	vmul.f32 v11, v28;
	(erf) = vpow2.f32 v29  }
0xfc: {  	vm1 =	vmand vm1, vm4;
	v15 =	vnsel vm2, $0x0, v30  }
0xfd: {  	v14 =	vnsel vm1, $0x0, v14;
	v29 =	vadd.f32 $-1.000000000e+00, v15;
	v11 =	vsub.f32 $1.500000000e+00, v11  }
0xfe: {  	v13 =	vmul.f32 v14, v13  }
0xff: {  	v29 =	vmul.f32 $-5.000000000e+00, v29;
	v28 =	vmul.f32 v11, v28  }
0x100: {  	[tilespmem:s23+$0xA800] =	vst v10;
	v10 =	vsub.f32 $0.0e+00, v10;
	v9 =	vmul.f32 v13, v9;
	v11 =	vadd.f32 $-5.000000000e+00, v20  }
0x101: {  	[tilespmem:s23+$0x9800] =	vst v25;
	v14 =	vsub.f32 $0.0e+00, v21;
	v20 =	vmul.f32 $1.442695020e+00, v29;
	v26 =	vmul.f32 v28, v27  }
0x102: {  	[tilespmem:s23+$0xA000] =	vst v21;
	v5 =	vmul.f32 v13, v5;
	v11 =	vnsel vm0, $0x0, v11;
	vm0 =	vgt.f32 v27, $0.0e+00  }
0x103: {  	[tilespmem:s23+$0x9000] =	vst v10;
	(erf) = vpow2.f32 v20;
	v21 =	vmul.f32 $5.000000000e-01, v11;
	v20 =	vnsel vm0, $0x0, v26  }
0x104: {  	[tilespmem:s23+$0x8800] =	vst v14;
	v2 =	vmul.f32 v13, v2;
	v26 =	vmul.f32 $5.000000000e+00, v23;
	v25 =	vadd.f32 $-1.000000000e+00, v20;
	v27 =	vpop (erf)  }
0x105: {  	vm3 =	vmmov vm3;
	[tilespmem:s23+$0x8000] =	vst v21;
	v14 =	vsub.f32 $1.000000000e+00, v27;
	v27 =	vmul.f32 $-5.000000000e+01, v27  }
0x106: {  	vm15 =	vlt.f32 v19, $2.500000000e+00;
	v23 =	vmul.f32 v26, v23;
	[tilespmem:s22+$0xB000] =	vst v9;
	v25 =	vmul.f32 $-5.000000000e+00, v25  }
0x107: {  	vm3 =	vmand vm3, vm15;
	v21 =	vsub.f32 $0.0e+00, v9;
	[tilespmem:s22+$0xA000] =	vst v5;
	v10 =	vmul.f32 v14, v27  }
0x108: {  	v5 =	vsub.f32 $0.0e+00, v5;
	[tilespmem:s22+$0xA800] =	vst v2;
	v9 =	vadd.f32 $-5.000000000e+00, v23;
	v19 =	vmul.f32 $1.442695020e+00, v25  }
0x109: {  	v2 =	vsub.f32 $0.0e+00, v2;
	[tilespmem:s22+$0x9800] =	vst v21;
	v21 =	vmul.f32 $5.000000000e+00, v14;
	v10 =	vnsel vm3, $0x0, v10  }
0x10a: {  	v13 =	vnsel vm1, $0x0, v9;
	(erf) = vpow2.f32 v19;
	v9 =	vmul.f32 v10, v22  }
0x10b: {  	[tilespmem:s22+$0x8800] =	vst v5;
	v19 =	vmul.f32 $5.000000000e-01, v13  }
0x10c: {  	[tilespmem:s22+$0x9000] =	vst v2;
	v14 =	vmul.f32 v21, v14;
	v10 =	vpop (erf);
	v5 =	vmul.f32 v9, v8  }
0x10d: {  	[tilespmem:s22+$0x8000] =	vst v19;
	v8 =	vsub.f32 $1.000000000e+00, v10;
	v10 =	vmul.f32 $-5.000000000e+01, v10  }
0x10e: {  	v4 =	vmul.f32 v9, v4;
	v2 =	vsub.f32 $0.0e+00, v5;
	[tilespmem:s16+$0xB000] =	vst v5;
	v5 =	vadd.f32 $-5.000000000e+00, v14  }
0x10f: {  	vm1 =	vmmov vm2;
	vm2 =	vlt.f32 v15, $2.500000000e+00;
	v10 =	vmul.f32 v8, v10  }
0x110: {  	vm1 =	vmand vm1, vm2;
	v3 =	vmul.f32 v9, v3;
	[tilespmem:s16+$0xA000] =	vst v4;
	v14 =	vnsel vm3, $0x0, v5  }
0x111: {  	v9 =	vmul.f32 $5.000000000e+00, v8;
	[tilespmem:s16+$0x9800] =	vst v2;
	v2 =	vnsel vm1, $0x0, v10;
	v5 =	vmul.f32 $5.000000000e-01, v14  }
0x112: {  	v4 =	vsub.f32 $0.0e+00, v4;
	[tilespmem:s16+$0xA800] =	vst v3;
	v2 =	vmul.f32 v2, v24  }
0x113: {  	v3 =	vsub.f32 $0.0e+00, v3;
	v10 =	vpop (erf);
	[tilespmem:s16+$0x8000] =	vst v5;
	v5 =	vmul.f32 v9, v8  }
0x114: {  	[tilespmem:s16+$0x8800] =	vst v4;
	v4 =	vmul.f32 v2, v12;
	v12 =	vsub.f32 $1.000000000e+00, v10;
	v10 =	vmul.f32 $-5.000000000e+01, v10  }
0x115: {  	vm0 =	vmmov vm0;
	vm2 =	vlt.f32 v20, $2.500000000e+00;
	[tilespmem:s16+$0x9000] =	vst v3;
	v7 =	vmul.f32 v2, v7  }
0x116: {  	v3 =	vsub.f32 $0.0e+00, v4;
	v8 =	vmul.f32 v12, v10;
	[tilespmem:s13+$0xB000] =	vst v4;
	v4 =	vadd.f32 $-5.000000000e+00, v5  }
0x117: {  	vm0 =	vmand vm0, vm2;
	v2 =	vmul.f32 v2, v6;
	[tilespmem:s13+$0xA000] =	vst v7;
	v6 =	vmul.f32 $5.000000000e+00, v12  }
0x118: {  	[tilespmem:s13+$0x9800] =	vst v3;
	v3 =	vnsel vm0, $0x0, v8;
	v15 =	vnsel vm1, $0x0, v4;
	v4 =	vsub.f32 $0.0e+00, v7  }
0x119: {  	[tilespmem:s13+$0xA800] =	vst v2;
	v3 =	vmul.f32 v3, v28;
	v5 =	vmul.f32 $5.000000000e-01, v15  }
0x11a: {  	v2 =	vsub.f32 $0.0e+00, v2;
	[tilespmem:s13+$0x8800] =	vst v4  }
0x11b: {  	v4 =	vmul.f32 v3, v18;
	[tilespmem:s13+$0x8000] =	vst v5;
	v5 =	vmul.f32 v6, v12  }
0x11c: {  	[tilespmem:s13+$0x9000] =	vst v2;
	v6 =	vmul.f32 v3, v17  }
0x11d: {  	v2 =	vsub.f32 $0.0e+00, v4;
	[tilespmem:s14+$0xB000] =	vst v4;
	v4 =	vadd.f32 $-5.000000000e+00, v5  }
0x11e: {  	v3 =	vmul.f32 v3, v16;
	[tilespmem:s14+$0xA000] =	vst v6  }
0x11f: {  	[tilespmem:s14+$0x9800] =	vst v2;
	v12 =	vnsel vm0, $0x0, v4;
	v2 =	vsub.f32 $0.0e+00, v6  }
0x120: {  	[tilespmem:s14+$0xA800] =	vst v3;
	v4 =	vmul.f32 $5.000000000e-01, v12  }
0x121: {  	[tilespmem:s14+$0x8800] =	vst v2;
	v2 =	vsub.f32 $0.0e+00, v3  }
0x122: {  	[tilespmem:s14+$0x8000] =	vst v4  }
0x123: {  	[tilespmem:s14+$0x9000] =	vst v2  }
0x124: {  	[spmem:s0] =	stream.indirect.scatter.add.f32 [tilespmem:s12], [sflag:$0x5], $0x1, s9, s20, $0xb8;
	[tilespmem:$0x17C10] =	vst v63  }
0x125: {  	_ = 	snop  }
0x126: {  	[spmem:s0] =	stream.indirect.scatter.add.f32 [tilespmem:s12], [sflag:$0x5], $0x1, s18, s20, $0xb8;
	[tilespmem:$0x17C10] =	vst v63  }
0x127: {  	s19 =	simm.s32 $0x8800  }
0x128: {  	[spmem:s2] =	stream.indirect.scatter.add.f32 [tilespmem:s19], [sflag:$0x5], $0x1, s9, s20, $0xb8;
	[tilespmem:$0x17C10] =	vst v63  }
0x129: {  	s16 =	simm.s32 $0x9000  }
0x12a: {  	[spmem:s3] =	stream.indirect.scatter.add.f32 [tilespmem:s16], [sflag:$0x5], $0x1, s9, s20, $0xb8;
	[tilespmem:$0x17C10] =	vst v63  }
0x12b: {  	s22 =	simm.s32 $0x9800  }
0x12c: {  	[spmem:s4] =	stream.indirect.scatter.add.f32 [tilespmem:s22], [sflag:$0x5], $0x1, s9, s20, $0xb8;
	[tilespmem:$0x17C10] =	vst v63  }
0x12d: {  	s23 =	simm.s32 $0xA000  }
0x12e: {  	[spmem:s2] =	stream.indirect.scatter.add.f32 [tilespmem:s23], [sflag:$0x5], $0x1, s18, s20, $0xb8;
	[tilespmem:$0x17C10] =	vst v63  }
0x12f: {  	_ = 	snop  }
0x130: {  	[spmem:s3] =	stream.indirect.scatter.add.f32 [tilespmem:s6], [sflag:$0x5], $0x1, s18, s20, $0xb8;
	[tilespmem:$0x17C10] =	vst v63  }
0x131: {  	_ = 	snop  }
0x132: {  	[spmem:s4] =	stream.indirect.scatter.add.f32 [tilespmem:s28], [sflag:$0x5], $0x1, s18, s20, $0xb8;
	[tilespmem:$0x17C10] =	vst v63  }
0x133: {  	_ =	swait.ge [sflag:s29], $0x7D0  }
0x134: {  	[sflag:s29] =	ssyncset.done $0x0  }
0x135: {  	[sflag:s29] =	ssyncadd.s32 $0xFFFFF830  }
0x136: {  	_ =	swait.ge [sflag:s29], $0x7D0  }
0x137: {  	[sflag:s29] =	ssyncset.done $0x0  }
0x138: {  	[sflag:s29] =	ssyncadd.s32 $0xFFFFF830  }
0x139: {  	_ =	swait.ge [sflag:s29], $0x7D0  }
0x13a: {  	[sflag:s29] =	ssyncset.done $0x0  }
0x13b: {  	[sflag:s29] =	ssyncadd.s32 $0xFFFFF830  }
0x13c: {  	_ =	swait.ge [sflag:s29], $0x7D0  }
0x13d: {  	[sflag:s29] =	ssyncset.done $0x0  }
0x13e: {  	[sflag:s29] =	ssyncadd.s32 $0xFFFFF830  }
0x13f: {  	_ =	swait.ge [sflag:s29], $0x7D0  }
0x140: {  	[sflag:s29] =	ssyncset.done $0x0  }
0x141: {  	[sflag:s29] =	ssyncadd.s32 $0xFFFFF830  }
0x142: {  	_ =	swait.ge [sflag:s29], $0x7D0  }
0x143: {  	[sflag:s29] =	ssyncset.done $0x0  }
0x144: {  	[sflag:s29] =	ssyncadd.s32 $0xFFFFF830  }
0x145: {  	_ =	swait.ge [sflag:s29], $0x7D0  }
0x146: {  	[sflag:s29] =	ssyncset.done $0x0  }
0x147: {  	[sflag:s29] =	ssyncadd.s32 $0xFFFFF830  }
0x148: {  	_ =	swait.ge [sflag:s29], $0x7D0  }
0x149: {  	[sflag:s29] =	ssyncset.done $0x0  }
0x14a: {  	[sflag:s29] =	ssyncadd.s32 $0xFFFFF830  }
0x14b: {  	_ =	swait.ge [sflag:s30], $0x7D0  }
0x14c: {  	[sflag:s30] =	ssyncset.done $0x0  }
0x14d: {  	[sflag:s30] =	ssyncadd.s32 $0xFFFFF830  }
0x14e: {  	_ =	swait.ge [sflag:s30], $0x7D0  }
0x14f: {  	[sflag:s30] =	ssyncset.done $0x0  }
0x150: {  	[sflag:s30] =	ssyncadd.s32 $0xFFFFF830  }
0x151: {  	_ =	swait.ge [sflag:s30], $0x7D0  }
0x152: {  	[sflag:s30] =	ssyncset.done $0x0  }
0x153: {  	[sflag:s30] =	ssyncadd.s32 $0xFFFFF830  }
0x154: {  	_ =	swait.ge [sflag:s30], $0x7D0  }
0x155: {  	[sflag:s30] =	ssyncset.done $0x0  }
0x156: {  	[sflag:s30] =	ssyncadd.s32 $0xFFFFF830  }
0x157: {  	_ =	swait.ge [sflag:s30], $0x7D0  }
0x158: {  	[sflag:s30] =	ssyncset.done $0x0  }
0x159: {  	[sflag:s30] =	ssyncadd.s32 $0xFFFFF830  }
0x15a: {  	_ =	swait.ge [sflag:s30], $0x7D0  }
0x15b: {  	p0 =	seq.s32 s1, $0x31;
	s13 =	rddreg [dreg:$0x16]  }
0x15c: {  	s13 =	sadd.s32 @!p0 s17, s13  }
0x15d: {  	[sflag:s30] =	ssyncset.done $0x0;
	s13 =	sshrl.u32 @!p0 s13, $0x3  }
0x15e: {  	s15 =	simm.s32 @!p0 $0x0;
	[sflag:s30] =	ssyncadd.s32 $0xFFFFF830;
	s14 =	sadd.s32 @!p0 s10, s13  }
0x15f: {  	[tilespmem:s15], [sflag:$0x1] =	stream.linear.gather @!p0 [hbm4b:s14+s15], $0x7D0, $0x38;
	[tilespmem:$0x17C10] =	vst v63  }
0x160: {  	s13 =	sadd.s32 @!p0 s11, s13;
	s14 =	simm.s32 @!p0 $0x800  }
0x161: {  	[tilespmem:s14], [sflag:$0x1] =	stream.linear.gather @!p0 [hbm4b:s13+s15], $0x7D0, $0x38;
	[tilespmem:$0x17C10] =	vst v63  }
0x162: {  	s13 =	simm.s32 @!p0 $0x1  }
0x163: {  	_ =	swait.ge @!p0 [sflag:s13], $0x7D0  }
0x164: {  	[sflag:s13] =	ssyncset.done @!p0 $0x0  }
0x165: {  	[sflag:s13] =	ssyncadd.s32 @!p0 $0xFFFFF830  }
0x166: {  	_ =	swait.ge @!p0 [sflag:s13], $0x7D0  }
0x167: {  	[sflag:s13] =	ssyncset.done @!p0 $0x0  }
0x168: {  	s16 =	simm.s32 @!p0 $0x2000;
	[sflag:s13] =	ssyncadd.s32 @!p0 $0xFFFFF830;
	s13 =	simm.s32 @!p0 $0x7D0  }
0x169: {  	[tilespmem:s16], [sflag:$0x3] =	stream.indirect.gather @!p0 [spmem:s5], $0x1, s15, s13, $0xb8;
	[tilespmem:$0x17C10] =	vst v63  }
0x16a: {  	s16 =	simm.s32 @!p0 $0x2800  }
0x16b: {  	[tilespmem:s16], [sflag:$0x3] =	stream.indirect.gather @!p0 [spmem:s7], $0x1, s15, s13, $0xb8;
	[tilespmem:$0x17C10] =	vst v63  }
0x16c: {  	s16 =	simm.s32 @!p0 $0x3000  }
0x16d: {  	[tilespmem:s16], [sflag:$0x3] =	stream.indirect.gather @!p0 [spmem:s8], $0x1, s15, s13, $0xb8;
	[tilespmem:$0x17C10] =	vst v63  }
0x16e: {  	s15 =	simm.s32 @!p0 $0x3800  }
0x16f: {  	[tilespmem:s15], [sflag:$0x3] =	stream.indirect.gather @!p0 [spmem:s5], $0x1, s14, s13, $0xb8;
	[tilespmem:$0x17C10] =	vst v63  }
0x170: {  	s15 =	simm.s32 @!p0 $0x4000  }
0x171: {  	[tilespmem:s15], [sflag:$0x3] =	stream.indirect.gather @!p0 [spmem:s7], $0x1, s14, s13, $0xb8;
	[tilespmem:$0x17C10] =	vst v63  }
0x172: {  	s22 =	simm.s32 $0x0;
	s15 =	simm.s32 @!p0 $0x4800  }
0x173: {  	[tilespmem:s15], [sflag:$0x3] =	stream.indirect.gather @!p0 [spmem:s8], $0x1, s14, s13, $0xb8;
	[tilespmem:$0x17C10] =	vst v63  }
0x174: {  	v2 =	vld [tilespmem:s22+$0x6800]  }
0x175: {  	v3 =	vld [tilespmem:s22+$0x5000]  }
0x176: {  	v4 =	vld [tilespmem:s22+$0x7000]  }
0x177: {  	v5 =	vld [tilespmem:s22+$0x5800]  }
0x178: {  	v6 =	vld [tilespmem:s22+$0x7800]  }
0x179: {  	v7 =	vld [tilespmem:s22+$0x6000];
	_ =	sdelay $0x2  }
0x17a: {  	v17 =	vsub.f32 v2, v3;
	v10 =	vsub.f32 v4, v5;
	_ =	sdelay $0x1  }
0x17b: {  	v18 =	vsub.f32 v6, v7;
	v2 =	vmul.f32 v17, v17;
	v3 =	vmul.f32 v10, v10;
	_ =	sdelay $0x1  }
0x17c: {  	v4 =	vmul.f32 v18, v18;
	v2 =	vadd.f32 v3, v2;
	_ =	sdelay $0x1  }
0x17d: {  	v6 =	vadd.f32 v4, v2;
	_ =	sdelay $0x1  }
0x17e: {  	s16 =	simm.s32 $0x10;
	v2 =	vshra.s32 v6, $0x1;
	v3 =	vmul.f32 $5.000000000e-01, v6  }
0x17f: {  	v8 =	vld [tilespmem:s16+$0x7000];
	v2 =	vsub.s32 $0x5F3759DF, v2  }
0x180: {  	v9 =	vld [tilespmem:s16+$0x5800];
	v7 =	vmul.f32 v2, v3  }
0x181: {  	v5 =	vld [tilespmem:s16+$0x5000]  }
0x182: {  	v4 =	vld [tilespmem:s16+$0x6800];
	v7 =	vmul.f32 v2, v7  }
0x183: {  	v16 =	vld [tilespmem:s16+$0x7800]  }
0x184: {  	v19 =	vld [tilespmem:s16+$0x6000];
	v7 =	vsub.f32 $1.500000000e+00, v7;
	_ =	sdelay $0x1  }
0x185: {  	v7 =	vmul.f32 v2, v7  }
0x186: {  	v5 =	vsub.f32 v4, v5;
	v2 =	vsub.f32 v8, v9  }
0x187: {  	v4 =	vmul.f32 v7, v3  }
0x188: {  	v9 =	vsub.f32 v16, v19;
	v8 =	vmul.f32 v5, v5;
	v16 =	vmul.f32 v2, v2  }
0x189: {  	v4 =	vmul.f32 v4, v7  }
0x18a: {  	v19 =	vmul.f32 v9, v9;
	v8 =	vadd.f32 v16, v8  }
0x18b: {  	v4 =	vsub.f32 $1.500000000e+00, v4  }
0x18c: {  	s17 =	simm.s32 $0x20;
	v19 =	vadd.f32 v19, v8  }
0x18d: {  	v22 =	vld [tilespmem:s17+$0x7000];
	v7 =	vmul.f32 v4, v7  }
0x18e: {  	v16 =	vld [tilespmem:s17+$0x5000];
	v4 =	vshra.s32 v19, $0x1;
	v20 =	vmul.f32 $5.000000000e-01, v19  }
0x18f: {  	v8 =	vld [tilespmem:s17+$0x6800];
	v21 =	vsub.s32 $0x5F3759DF, v4;
	v3 =	vmul.f32 v7, v3  }
0x190: {  	v23 =	vld [tilespmem:s17+$0x5800];
	v4 =	vmul.f32 v21, v20  }
0x191: {  	v24 =	vld [tilespmem:s17+$0x7800];
	v3 =	vmul.f32 v3, v7  }
0x192: {  	v25 =	vld [tilespmem:s17+$0x6000];
	v4 =	vmul.f32 v21, v4  }
0x193: {  	v26 =	vsub.f32 $1.500000000e+00, v3  }
0x194: {  	v27 =	vsub.f32 $1.500000000e+00, v4;
	v4 =	vsub.f32 v8, v16  }
0x195: {  	v3 =	vsub.f32 v22, v23;
	v23 =	vmul.f32 v26, v7  }
0x196: {  	v7 =	vmul.f32 v21, v27;
	v16 =	vmul.f32 v4, v4  }
0x197: {  	v8 =	vsub.f32 v24, v25;
	v21 =	vmul.f32 v3, v3;
	v22 =	vmul.f32 v23, v6  }
0x198: {  	vm0 =	vgt.f32 v6, $0.0e+00;
	v24 =	vmul.f32 v7, v20  }
0x199: {  	v6 =	vmul.f32 v8, v8;
	v16 =	vadd.f32 v21, v16;
	v21 =	vnsel vm0, $0x0, v22  }
0x19a: {  	v22 =	vmul.f32 v24, v7;
	v24 =	vadd.f32 $-1.000000000e+00, v21  }
0x19b: {  	v16 =	vadd.f32 v6, v16  }
0x19c: {  	s23 =	simm.s32 $0x30;
	v6 =	vsub.f32 $1.500000000e+00, v22;
	v24 =	vmul.f32 $-5.000000000e+00, v24  }
0x19d: {  	v30 =	vld [tilespmem:s23+$0x5800];
	v25 =	vshra.s32 v16, $0x1;
	v28 =	vmul.f32 $5.000000000e-01, v16  }
0x19e: {  	v26 =	vld [tilespmem:s23+$0x6800];
	v25 =	vsub.s32 $0x5F3759DF, v25;
	v27 =	vmul.f32 v6, v7;
	v7 =	vmul.f32 $1.442695020e+00, v24  }
0x19f: {  	v1 =	vadd.f32 v11, v1;
	v6 =	vld [tilespmem:s23+$0x5000];
	v29 =	vmul.f32 v25, v28  }
0x1a0: {  	v24 =	vld [tilespmem:s23+$0x7000];
	v20 =	vmul.f32 v27, v20;
	(erf) = vpow2.f32 v7  }
0x1a1: {  	v1 =	vadd.f32 v13, v1;
	v11 =	vld [tilespmem:s23+$0x6000];
	v7 =	vmul.f32 v25, v29  }
0x1a2: {  	v22 =	vld [tilespmem:s23+$0x7800];
	v20 =	vmul.f32 v20, v27  }
0x1a3: {  	v1 =	vadd.f32 v14, v1;
	v13 =	vsub.f32 $1.500000000e+00, v7  }
0x1a4: {  	v7 =	vsub.f32 v26, v6;
	v20 =	vsub.f32 $1.500000000e+00, v20  }
0x1a5: {  	v6 =	vsub.f32 v24, v30;
	v25 =	vmul.f32 v25, v13  }
0x1a6: {  	v1 =	vadd.f32 v15, v1;
	v14 =	vmul.f32 v7, v7;
	v13 =	vmul.f32 v20, v27  }
0x1a7: {  	v11 =	vsub.f32 v22, v11;
	v20 =	vmul.f32 v6, v6;
	v22 =	vmul.f32 v25, v28  }
0x1a8: {  	v1 =	vadd.f32 v12, v1;
	vm1 =	vgt.f32 v19, $0.0e+00;
	v24 =	vmul.f32 v13, v19  }
0x1a9: {  	v15 =	vmul.f32 v11, v11;
	v26 =	vadd.f32 v20, v14;
	v22 =	vmul.f32 v22, v25;
	v19 =	vpop (erf)  }
0x1aa: {  	v14 =	vnsel vm1, $0x0, v24;
	v20 =	vsub.f32 $1.000000000e+00, v19;
	v19 =	vmul.f32 $-5.000000000e+01, v19  }
0x1ab: {  	vm0 =	vmmov vm0;
	v15 =	vadd.f32 v15, v26;
	v26 =	vadd.f32 $-1.000000000e+00, v14  }
0x1ac: {  	s13 =	simm.s32 $0x40;
	vm2 =	vlt.f32 v21, $2.500000000e+00;
	v22 =	vsub.f32 $1.500000000e+00, v22;
	v21 =	vmul.f32 v20, v19  }
0x1ad: {  	v12 =	vld [tilespmem:s13+$0x5800];
	vm0 =	vmand vm0, vm2;
	v30 =	vshra.s32 v15, $0x1;
	v26 =	vmul.f32 $-5.000000000e+00, v26  }
0x1ae: {  	v29 =	vld [tilespmem:s13+$0x5000];
	v19 =	vmul.f32 $5.000000000e-01, v15;
	v22 =	vmul.f32 v22, v25;
	v21 =	vnsel vm0, $0x0, v21  }
0x1af: {  	v27 =	vld [tilespmem:s13+$0x6800];
	v25 =	vsub.s32 $0x5F3759DF, v30;
	v26 =	vmul.f32 $1.442695020e+00, v26;
	v23 =	vmul.f32 v21, v23  }
0x1b0: {  	v24 =	vld [tilespmem:s13+$0x7800];
	v31 =	vmul.f32 v22, v28;
	v21 =	vmul.f32 v25, v19  }
0x1b1: {  	v30 =	vld [tilespmem:s13+$0x7000];
	(erf) = vpow2.f32 v26;
	v33 =	vmul.f32 v23, v18  }
0x1b2: {  	vm1 =	vmmov vm1;
	v28 =	vmul.f32 $5.000000000e+00, v20;
	v18 =	vld [tilespmem:s13+$0x6000];
	v32 =	vmul.f32 v25, v21  }
0x1b3: {  	s14 =	simm.s32 $0x140;
	v31 =	vmul.f32 v31, v22;
	v21 =	vmul.f32 v23, v17;
	v26 =	vsub.f32 $0.0e+00, v33;
	[tilespmem:s22+$0xB000] =	vst v33  }
.LBB2_7:
0x1b4: {  	p0 =	sne.s32 s14, $0x1F00;
	v17 =	vsub.f32 $1.500000000e+00, v32;
	v20 =	vmul.f32 v28, v20;
	v28 =	vmul.f32 v23, v10;
	v33 =	vmovc v4;
	v4 =	vmovc v7  }
0x1b5: {  	v7 =	vsub.f32 v27, v29;
	v10 =	vmovc v2;
	v2 =	vmovc v3;
	v3 =	vmov v6;
	v23 =	vsub.f32 $1.500000000e+00, v31;
	[tilespmem:s22+$0x9800] =	vst v26  }
0x1b6: {  	v6 =	vsub.f32 v30, v12;
	v12 =	vmul.f32 v25, v17;
	v17 =	vadd.f32 $-5.000000000e+00, v20;
	[tilespmem:s22+$0xA000] =	vst v21  }
0x1b7: {  	v26 =	vsub.f32 v24, v18;
	v18 =	vmul.f32 v7, v7;
	v31 =	vmul.f32 v23, v22;
	[tilespmem:s22+$0xA800] =	vst v28  }
0x1b8: {  	v20 =	vmul.f32 v6, v6;
	v22 =	vmul.f32 v12, v19;
	v17 =	vnsel vm0, $0x0, v17  }
0x1b9: {  	v21 =	vsub.f32 $0.0e+00, v21;
	v23 =	vmul.f32 v26, v26;
	v24 =	vmul.f32 v31, v16  }
0x1ba: {  	vm2 =	vgt.f32 v16, $0.0e+00;
	v18 =	vadd.f32 v20, v18;
	v22 =	vmul.f32 v22, v12;
	v16 =	vpop (erf)  }
0x1bb: {  	v24 =	vnsel vm2, $0x0, v24;
	v20 =	vsub.f32 $1.000000000e+00, v16;
	v25 =	vmul.f32 $-5.000000000e+01, v16;
	[tilespmem:s22+$0x8800] =	vst v21;
	v16 =	vmovc v15  }
0x1bc: {  	v21 =	vmul.f32 $5.000000000e-01, v17;
	v15 =	vadd.f32 v23, v18;
	v18 =	vadd.f32 $-1.000000000e+00, v24  }
0x1bd: {  	s15 =	sshra.s32 s14, $0x2;
	vm0 =	vlt.f32 v14, $2.500000000e+00;
	v22 =	vsub.f32 $1.500000000e+00, v22;
	v14 =	vmovc v24;
	v23 =	vmul.f32 v20, v25  }
0x1be: {  	vm0 =	vmand vm1, vm0;
	v24 =	vld [tilespmem:s15+$0x7800];
	v25 =	vshra.s32 v15, $0x1;
	v18 =	vmul.f32 $-5.000000000e+00, v18;
	[tilespmem:s22+$0x8000] =	vst v21  }
0x1bf: {  	v21 =	vmul.f32 $5.000000000e-01, v15;
	v22 =	vmul.f32 v22, v12;
	v27 =	vld [tilespmem:s15+$0x6800];
	v12 =	vnsel vm0, $0x0, v23  }
.Ltmp2:
0x1c0: {  	v25 =	vsub.s32 $0x5F3759DF, v25;
	v29 =	vld [tilespmem:s15+$0x5000];
	v18 =	vmul.f32 $1.442695020e+00, v18;
	v23 =	vmul.f32 v12, v13;
	(pc) =	sbr.rel @p0 .LBB2_7-.Ltmp2, $4  }
0x1c1: {  	v35 =	vsub.f32 $0.0e+00, v28;
	v32 =	vmul.f32 v25, v21;
	v34 =	vmul.f32 v22, v19;
	v13 =	vmovc v31;
	v19 =	vmovc v21;
	v30 =	vld [tilespmem:s15+$0x7000]  }
0x1c2: {  	v1 =	vadd.f32 v17, v1;
	v12 =	vld [tilespmem:s15+$0x5800];
	(erf) = vpow2.f32 v18;
	v36 =	vmul.f32 v23, v9;
	v9 =	vmovc v8;
	v8 =	vmovc v11  }
0x1c3: {  	vm1 =	vmmov vm2;
	v28 =	vmul.f32 $5.000000000e+00, v20;
	v32 =	vmul.f32 v25, v32;
	v11 =	vmovc v26;
	v18 =	vld [tilespmem:s15+$0x6000];
	[tilespmem:s22+$0x9000] =	vst v35;
	s22 =	smov.u32 s16;
	s16 =	smov.u32 s17;
	s17 =	smov.u32 s23  }
0x1c4: {  	s14 =	sadd.s32 $0x40, s14;
	v31 =	vmul.f32 v34, v22;
	v21 =	vmul.f32 v23, v5;
	v5 =	vmovc v33;
	s23 =	smov.u32 s13;
	s13 =	smov.u32 s15;
	v26 =	vsub.f32 $0.0e+00, v36;
	[tilespmem:s22+$0xB000] =	vst v36  }
0x1c5: {  	_ =	sdelay $0x1  }
0x1c6: {  	v17 =	vsub.f32 v27, v29;
	v12 =	vsub.f32 v30, v12;
	_ =	sdelay $0x1  }
0x1c7: {  	v37 =	vmul.f32 v17, v17;
	v18 =	vsub.f32 v24, v18;
	v38 =	vmul.f32 v12, v12;
	_ =	sdelay $0x1  }
0x1c8: {  	v40 =	vsub.f32 $1.500000000e+00, v32;
	v39 =	vmul.f32 v18, v18;
	v24 =	vadd.f32 v38, v37;
	_ =	sdelay $0x1  }
0x1c9: {  	v25 =	vmul.f32 v25, v40;
	v24 =	vadd.f32 v39, v24;
	_ =	sdelay $0x1  }
0x1ca: {  	v43 =	vmul.f32 v25, v19;
	v29 =	vshra.s32 v24, $0x1;
	v41 =	vmul.f32 $5.000000000e-01, v24  }
0x1cb: {  	v42 =	vsub.s32 $0x5F3759DF, v29  }
0x1cc: {  	v32 =	vmul.f32 v43, v25;
	v29 =	vmul.f32 v42, v41;
	_ =	sdelay $0x1  }
0x1cd: {  	v32 =	vsub.f32 $1.500000000e+00, v32;
	v29 =	vmul.f32 v42, v29;
	_ =	sdelay $0x1  }
0x1ce: {  	v25 =	vmul.f32 v32, v25;
	v29 =	vsub.f32 $1.500000000e+00, v29  }
0x1cf: {  	v44 =	vsub.f32 $1.500000000e+00, v31  }
0x1d0: {  	v46 =	vmul.f32 v25, v19;
	v27 =	vmul.f32 v42, v29  }
0x1d1: {  	v22 =	vmul.f32 v44, v22  }
0x1d2: {  	v48 =	vmul.f32 v46, v25;
	v45 =	vmul.f32 v27, v41  }
0x1d3: {  	vm3 =	vgt.f32 v16, $0.0e+00  }
0x1d4: {  	v47 =	vmul.f32 v22, v16;
	v16 =	vsub.f32 $1.500000000e+00, v48;
	v29 =	vmul.f32 v45, v27;
	_ =	sdelay $0x1  }
0x1d5: {  	v49 =	vnsel vm3, $0x0, v47;
	v16 =	vmul.f32 v16, v25;
	v29 =	vsub.f32 $1.500000000e+00, v29  }
0x1d6: {  	v31 =	vadd.f32 $-1.000000000e+00, v49  }
0x1d7: {  	v52 =	vmul.f32 v16, v15;
	v27 =	vmul.f32 v29, v27  }
0x1d8: {  	vm2 =	vgt.f32 v15, $0.0e+00;
	v50 =	vmul.f32 $-5.000000000e+00, v31  }
0x1d9: {  	v54 =	vnsel vm2, $0x0, v52;
	v51 =	vmul.f32 v27, v41  }
0x1da: {  	v56 =	vadd.f32 $-1.000000000e+00, v54;
	v29 =	vmul.f32 $1.442695020e+00, v50  }
0x1db: {  	v20 =	vmul.f32 v28, v20;
	v53 =	vmul.f32 v51, v27  }
0x1dc: {  	v59 =	vmul.f32 $-5.000000000e+00, v56;
	(erf) = vpow2.f32 v29  }
0x1dd: {  	v23 =	vmul.f32 v23, v10;
	vm4 =	vlt.f32 v14, $2.500000000e+00;
	v55 =	vpop (erf);
	v15 =	vsub.f32 $1.500000000e+00, v53  }
0x1de: {  	v57 =	vsub.f32 $1.000000000e+00, v55;
	v58 =	vmul.f32 $-5.000000000e+01, v55;
	v61 =	vmul.f32 $1.442695020e+00, v59  }
0x1df: {  	vm1 =	vmand vm1, vm4;
	v20 =	vadd.f32 $-5.000000000e+00, v20;
	v15 =	vmul.f32 v15, v27  }
0x1e0: {  	[tilespmem:s22+$0xA800] =	vst v23;
	v23 =	vsub.f32 $0.0e+00, v23;
	v60 =	vmul.f32 v57, v58;
	(erf) = vpow2.f32 v61  }
0x1e1: {  	v10 =	vnsel vm0, $0x0, v20;
	v34 =	vmul.f32 $5.000000000e+00, v57;
	v62 =	vmul.f32 v15, v24  }
0x1e2: {  	vm3 =	vmmov vm3;
	vm11 =	vgt.f32 v24, $0.0e+00;
	v14 =	vnsel vm1, $0x0, v60  }
0x1e3: {  	[tilespmem:s22+$0x9800] =	vst v26;
	v26 =	vmul.f32 v34, v57;
	v13 =	vmul.f32 v14, v13;
	v63 =	vnsel vm11, $0x0, v62  }
0x1e4: {  	[tilespmem:s22+$0xA000] =	vst v21;
	vm12 =	vlt.f32 v49, $2.500000000e+00;
	v31 =	vsub.f32 $0.0e+00, v21;
	v33 =	vadd.f32 $-1.000000000e+00, v63  }
0x1e5: {  	[tilespmem:s22+$0x9000] =	vst v23;
	v32 =	vmul.f32 $5.000000000e-01, v10;
	v40 =	vadd.f32 $-5.000000000e+00, v26;
	v9 =	vmul.f32 v13, v9;
	v35 =	vpop (erf)  }
0x1e6: {  	[tilespmem:s22+$0x8800] =	vst v31;
	v36 =	vsub.f32 $1.000000000e+00, v35;
	v27 =	vmul.f32 $-5.000000000e+01, v35;
	v24 =	vmul.f32 $-5.000000000e+00, v33  }
0x1e7: {  	[tilespmem:s22+$0x8000] =	vst v32;
	v5 =	vmul.f32 v13, v5;
	v2 =	vmul.f32 v13, v2;
	v37 =	vsub.f32 $0.0e+00, v9  }
0x1e8: {  	[tilespmem:s16+$0xB000] =	vst v9;
	v9 =	vnsel vm1, $0x0, v40;
	v38 =	vmul.f32 v36, v27;
	v39 =	vmul.f32 $1.442695020e+00, v24  }
0x1e9: {  	vm3 =	vmand vm3, vm12;
	[tilespmem:s16+$0xA000] =	vst v5;
	v5 =	vsub.f32 $0.0e+00, v5;
	v43 =	vmul.f32 $5.000000000e-01, v9;
	v42 =	vpop (erf)  }
0x1ea: {  	[tilespmem:s16+$0xA800] =	vst v2;
	v46 =	vsub.f32 $1.000000000e+00, v42;
	v41 =	vnsel vm3, $0x0, v38;
	(erf) = vpow2.f32 v39  }
0x1eb: {  	v2 =	vsub.f32 $0.0e+00, v2;
	[tilespmem:s16+$0x9800] =	vst v37;
	v44 =	vmul.f32 $5.000000000e+00, v36;
	v13 =	vmul.f32 v41, v22  }
0x1ec: {  	[tilespmem:s16+$0x8800] =	vst v5;
	v19 =	vmul.f32 $-5.000000000e+01, v42;
	v49 =	vmul.f32 $5.000000000e+00, v46  }
0x1ed: {  	vm13 =	vmmov vm2;
	[tilespmem:s16+$0x9000] =	vst v2;
	v20 =	vmul.f32 v44, v36;
	v45 =	vmul.f32 v13, v8  }
0x1ee: {  	[tilespmem:s16+$0x8000] =	vst v43;
	vm14 =	vlt.f32 v54, $2.500000000e+00;
	v4 =	vmul.f32 v13, v4;
	v8 =	vmul.f32 v49, v46  }
0x1ef: {  	v19 =	vmul.f32 v46, v19;
	v47 =	vadd.f32 $-5.000000000e+00, v20;
	v2 =	vsub.f32 $0.0e+00, v45;
	[tilespmem:s17+$0xB000] =	vst v45  }
0x1f0: {  	vm1 =	vmand vm13, vm14;
	[tilespmem:s17+$0xA000] =	vst v4;
	v4 =	vsub.f32 $0.0e+00, v4;
	v54 =	vadd.f32 $-5.000000000e+00, v8  }
0x1f1: {  	v3 =	vmul.f32 v13, v3;
	v5 =	vnsel vm3, $0x0, v47;
	[tilespmem:s17+$0x9800] =	vst v2;
	v2 =	vnsel vm1, $0x0, v19  }
0x1f2: {  	v48 =	vmul.f32 $5.000000000e-01, v5;
	[tilespmem:s17+$0x8800] =	vst v4;
	v4 =	vnsel vm1, $0x0, v54;
	v2 =	vmul.f32 v2, v16  }
0x1f3: {  	[tilespmem:s17+$0xA800] =	vst v3;
	v3 =	vsub.f32 $0.0e+00, v3;
	v56 =	vmul.f32 $5.000000000e-01, v4;
	v50 =	vpop (erf)  }
0x1f4: {  	[tilespmem:s17+$0x8000] =	vst v48;
	v51 =	vmul.f32 v2, v11;
	v52 =	vsub.f32 $1.000000000e+00, v50;
	v19 =	vmul.f32 $-5.000000000e+01, v50  }
0x1f5: {  	vm0 =	vmmov vm11;
	[tilespmem:s17+$0x9000] =	vst v3  }
0x1f6: {  	vm15 =	vlt.f32 v63, $2.500000000e+00;
	[tilespmem:s23+$0x8000] =	vst v56;
	v3 =	vsub.f32 $0.0e+00, v51;
	v53 =	vmul.f32 v52, v19  }
0x1f7: {  	vm0 =	vmand vm0, vm15;
	v7 =	vmul.f32 v2, v7;
	[tilespmem:s23+$0xB000] =	vst v51  }
0x1f8: {  	v2 =	vmul.f32 v2, v6;
	[tilespmem:s23+$0x9800] =	vst v3;
	v3 =	vnsel vm0, $0x0, v53  }
0x1f9: {  	[tilespmem:s23+$0xA000] =	vst v7;
	v55 =	vsub.f32 $0.0e+00, v7;
	v3 =	vmul.f32 v3, v15  }
0x1fa: {  	[tilespmem:s23+$0xA800] =	vst v2;
	v2 =	vsub.f32 $0.0e+00, v2;
	v57 =	vmul.f32 $5.000000000e+00, v52  }
0x1fb: {  	[tilespmem:s23+$0x8800] =	vst v55;
	v58 =	vmul.f32 v3, v18  }
0x1fc: {  	[tilespmem:s23+$0x9000] =	vst v2;
	v59 =	vmul.f32 v57, v52;
	v60 =	vmul.f32 v3, v17  }
0x1fd: {  	v3 =	vmul.f32 v3, v12;
	[tilespmem:s13+$0xB000] =	vst v58  }
0x1fe: {  	v61 =	vadd.f32 $-5.000000000e+00, v59;
	v2 =	vsub.f32 $0.0e+00, v58;
	[tilespmem:s13+$0xA000] =	vst v60  }
0x1ff: {  	v62 =	vsub.f32 $0.0e+00, v60;
	[tilespmem:s13+$0xA800] =	vst v3  }
0x200: {  	v3 =	vsub.f32 $0.0e+00, v3;
	[tilespmem:s13+$0x9800] =	vst v2;
	v2 =	vnsel vm0, $0x0, v61  }
0x201: {  	[tilespmem:s13+$0x8800] =	vst v62;
	v63 =	vmul.f32 $5.000000000e-01, v2  }
0x202: {  	[tilespmem:s13+$0x9000] =	vst v3  }
0x203: {  	[tilespmem:s13+$0x8000] =	vst v63  }
0x204: {  	[spmem:s0] =	stream.indirect.scatter.add.f32 [tilespmem:s12], [sflag:$0x5], $0x1, s24, s20, $0xb8;
	[tilespmem:$0x17C10] =	vst v63  }
0x205: {  	_ = 	snop  }
0x206: {  	[spmem:s0] =	stream.indirect.scatter.add.f32 [tilespmem:s12], [sflag:$0x5], $0x1, s25, s20, $0xb8;
	[tilespmem:$0x17C10] =	vst v63  }
0x207: {  	_ = 	snop  }
0x208: {  	[spmem:s2] =	stream.indirect.scatter.add.f32 [tilespmem:s19], [sflag:$0x5], $0x1, s24, s20, $0xb8;
	[tilespmem:$0x17C10] =	vst v63  }
0x209: {  	s19 =	simm.s32 $0x9000  }
0x20a: {  	[spmem:s3] =	stream.indirect.scatter.add.f32 [tilespmem:s19], [sflag:$0x5], $0x1, s24, s20, $0xb8;
	[tilespmem:$0x17C10] =	vst v63  }
0x20b: {  	s22 =	simm.s32 $0x9800  }
0x20c: {  	[spmem:s4] =	stream.indirect.scatter.add.f32 [tilespmem:s22], [sflag:$0x5], $0x1, s24, s20, $0xb8;
	[tilespmem:$0x17C10] =	vst v63  }
0x20d: {  	s23 =	simm.s32 $0xA000  }
0x20e: {  	[spmem:s2] =	stream.indirect.scatter.add.f32 [tilespmem:s23], [sflag:$0x5], $0x1, s25, s20, $0xb8;
	[tilespmem:$0x17C10] =	vst v63  }
0x20f: {  	_ = 	snop  }
0x210: {  	[spmem:s3] =	stream.indirect.scatter.add.f32 [tilespmem:s6], [sflag:$0x5], $0x1, s25, s20, $0xb8;
	[tilespmem:$0x17C10] =	vst v63  }
0x211: {  	_ = 	snop  }
0x212: {  	[spmem:s4] =	stream.indirect.scatter.add.f32 [tilespmem:s28], [sflag:$0x5], $0x1, s25, s20, $0xb8;
	[tilespmem:$0x17C10] =	vst v63  }
0x213: {  	_ =	swait.ge [sflag:s29], $0x7D0  }
0x214: {  	[sflag:s29] =	ssyncset.done $0x0  }
0x215: {  	[sflag:s29] =	ssyncadd.s32 $0xFFFFF830  }
0x216: {  	_ =	swait.ge [sflag:s29], $0x7D0  }
0x217: {  	[sflag:s29] =	ssyncset.done $0x0  }
0x218: {  	[sflag:s29] =	ssyncadd.s32 $0xFFFFF830  }
0x219: {  	_ =	swait.ge [sflag:s29], $0x7D0  }
0x21a: {  	[sflag:s29] =	ssyncset.done $0x0  }
0x21b: {  	[sflag:s29] =	ssyncadd.s32 $0xFFFFF830  }
0x21c: {  	_ =	swait.ge [sflag:s29], $0x7D0  }
0x21d: {  	[sflag:s29] =	ssyncset.done $0x0  }
0x21e: {  	[sflag:s29] =	ssyncadd.s32 $0xFFFFF830  }
0x21f: {  	_ =	swait.ge [sflag:s29], $0x7D0  }
0x220: {  	[sflag:s29] =	ssyncset.done $0x0  }
0x221: {  	[sflag:s29] =	ssyncadd.s32 $0xFFFFF830  }
0x222: {  	v1 =	vadd.f32 v10, v1;
	_ =	swait.ge [sflag:s29], $0x7D0  }
0x223: {  	[sflag:s29] =	ssyncset.done $0x0  }
0x224: {  	s1 =	sadd.s32 $0x1, s1;
	v1 =	vadd.f32 v9, v1;
	[sflag:s29] =	ssyncadd.s32 $0xFFFFF830  }
0x225: {  	p0 =	sne.s32 s1, $0x32;
	_ =	swait.ge [sflag:s29], $0x7D0  }
.Ltmp3:
0x226: {  	v1 =	vadd.f32 v5, v1;
	[sflag:s29] =	ssyncset.done $0x0;
	(pc) =	sbr.rel @p0 .LBB2_4-.Ltmp3, $4  }
0x227: {  	[sflag:s29] =	ssyncadd.s32 $0xFFFFF830  }
0x228: {  	v1 =	vadd.f32 v4, v1;
	_ =	swait.ge [sflag:s29], $0x7D0  }
0x229: {  	[sflag:s29] =	ssyncset.done $0x0  }
0x22a: {  	v1 =	vadd.f32 v2, v1;
	[sflag:s29] =	ssyncadd.s32 $0xFFFFF830  }
0x22b: {  	_ = 	snop  }
0x22c: {  	[tilespmem:$0xB800] =	vst v1  }
0x22d: {  	[bflag:$0x0] =	sbarrier.arrive $0xFFFF  }
0x22e: {  	s14 =	simm.s32 $0xB880;
	s15 =	simm.s32 $0x6;
	s22 =	rddreg [dreg:$0xb]  }
0x22f: {  	[tilespmem:s14], [sflag:$0x6] =	stream.linear.gather [spmem:s22], $0x1870, $0x38;
	[tilespmem:$0x17C10] =	vst v63  }
0x230: {  	_ =	swait.ge [sflag:s15], $0x1870  }
0x231: {  	[sflag:s15] =	ssyncset.done $0x0  }
0x232: {  	s1 =	rddreg [dreg:$0x12];
	[sflag:s15] =	ssyncadd.s32 $0xFFFFE790  }
0x233: {  	[hbm4b:s1+s9] =	stream.linear.scatter [tilespmem:s14], [sflag:$0x6], $0x1870, $0x38;
	[tilespmem:$0x17C10] =	vst v63  }
0x234: {  	_ =	swait.ge [sflag:s15], $0x1870  }
0x235: {  	[sflag:s15] =	ssyncset.done $0x0  }
0x236: {  	s23 =	rddreg [dreg:$0xc];
	[sflag:s15] =	ssyncadd.s32 $0xFFFFE790  }
0x237: {  	[tilespmem:s14], [sflag:$0x6] =	stream.linear.gather [spmem:s23], $0x1870, $0x38;
	[tilespmem:$0x17C10] =	vst v63  }
0x238: {  	_ =	swait.ge [sflag:s15], $0x1870  }
0x239: {  	[sflag:s15] =	ssyncset.done $0x0  }
0x23a: {  	s16 =	rddreg [dreg:$0x19];
	[sflag:s15] =	ssyncadd.s32 $0xFFFFE790  }
0x23b: {  	[hbm4b:s16+s9] =	stream.linear.scatter [tilespmem:s14], [sflag:$0x6], $0x1870, $0x38;
	[tilespmem:$0x17C10] =	vst v63  }
0x23c: {  	_ =	swait.ge [sflag:s15], $0x1870  }
0x23d: {  	[sflag:s15] =	ssyncset.done $0x0  }
0x23e: {  	s31 =	rddreg [dreg:$0xd];
	[sflag:s15] =	ssyncadd.s32 $0xFFFFE790  }
0x23f: {  	[tilespmem:s14], [sflag:$0x6] =	stream.linear.gather [spmem:s31], $0x1870, $0x38;
	[tilespmem:$0x17C10] =	vst v63  }
0x240: {  	_ =	swait.ge [sflag:s15], $0x1870  }
0x241: {  	[sflag:s15] =	ssyncset.done $0x0  }
0x242: {  	s17 =	rddreg [dreg:$0x1a];
	[sflag:s15] =	ssyncadd.s32 $0xFFFFE790  }
0x243: {  	[hbm4b:s17+s9] =	stream.linear.scatter [tilespmem:s14], [sflag:$0x6], $0x1870, $0x38;
	[tilespmem:$0x17C10] =	vst v63  }
0x244: {  	_ =	swait.ge [sflag:s15], $0x1870  }
0x245: {  	[sflag:s15] =	ssyncset.done $0x0  }
0x246: {  	s19 =	rddreg [dreg:$0xe];
	[sflag:s15] =	ssyncadd.s32 $0xFFFFE790  }
0x247: {  	[tilespmem:s14], [sflag:$0x6] =	stream.linear.gather [spmem:s19], $0x1870, $0x38;
	[tilespmem:$0x17C10] =	vst v63  }
0x248: {  	_ =	swait.ge [sflag:s15], $0x1870  }
0x249: {  	[sflag:s15] =	ssyncset.done $0x0  }
0x24a: {  	s13 =	rddreg [dreg:$0x1b];
	[sflag:s15] =	ssyncadd.s32 $0xFFFFE790  }
0x24b: {  	[hbm4b:s13+s9] =	stream.linear.scatter [tilespmem:s14], [sflag:$0x6], $0x1870, $0x38;
	[tilespmem:$0x17C10] =	vst v63  }
0x24c: {  	_ =	swait.ge [sflag:s15], $0x1870  }
0x24d: {  	[sflag:s15] =	ssyncset.done $0x0  }
0x24e: {  	s13 =	simm.s32 $0xB800;
	s16 =	rddreg [dreg:$0x1c];
	[sflag:s15] =	ssyncadd.s32 $0xFFFFE790  }
0x24f: {  	[hbm4b:s16+s9] =	stream.linear.scatter [tilespmem:s13], [sflag:$0x6], $0x10, $0x38;
	[tilespmem:$0x17C10] =	vst v63  }
0x250: {  	_ =	swait.ge [sflag:s15], $0x10  }
0x251: {  	s17 =	rddreg [dreg:$0x1f]  }
0x252: {  	s19 =	rddreg [dreg:$0x1d];
	s13 =	sadd.s32 $0x1, s17  }
0x253: {  	p0 =	sne.s32 s13, s19  }
.Ltmp4:
0x254: {  	_ = 	snop;
	(pc) =	sbr.rel @p0 .LBB2_1-.Ltmp4, $3  }
0x255: {  	_ =	sdelay $0x1  }
0x256: {  	[sflag:s15] =	ssyncset.done $0x0  }
0x257: {  	[sflag:s15] =	ssyncadd.s32 $0xFFFFFFF0  }
0x258: {  	_ =	sfence.sel $0x180000  }
0x259: {  	[bflag:$0x0] =	sbarrier.arrive $0xFFFF  }
0x25a: {  	_ =	strace $0x90000047  }
0x25b: {  	s0 =	stileid.u32;
	[bflag:$0x2] =	sbarrier.arrive $0xFFFF  }
0x25c: {  	p0 =	sne.s32 s0, $0x0;
	s0 =	rddreg [dreg:$0xa]  }
0x25d: {  	s0 =	sadd.s32 @!p0 $0x100000, s0  }
0x25e: {  	[sflag:s0] =	ssyncadd.tile.s32 @!p0 $0x1;
	_ =	shalt  }
.Lfunc_end2:
_tile_overlayer_lowered:
.L_overlay_start_2:
0x25f: {  	(tag) =	ssettag $0x2  }
0x260: {  	s0 =	rddreg [dreg:$0x0];
	s2 =	stileid.u32  }
0x261: {  	s1 =	rddreg [dreg:$0x1];
	p0 =	sne.s32 s2, $0x0  }
0x262: {  	s3 =	rddreg [dreg:$0x2];
	[bflag:$0x3] =	sbarrier.arrive $0xFFFF;
	s2 =	simm.s32 @!p0 $0x1C06  }
0x263: {  	[timem:s3], [sflag:s2] =	dma.local @!p0 [hbm:s0], s1  }
0x264: {  	s0 =	simm.s32 @!p0 $0x6  }
0x265: {  	_ =	swait.ge @!p0 [sflag:s0], s1  }
0x266: {  	s1 =	ssub.s32 @!p0 $0x0, s1;
	[sflag:s0] =	ssyncset.done @!p0 $0x0  }
0x267: {  	[sflag:s0] =	ssyncadd.s32 @!p0 s1  }
0x268: {  	[bflag:$0x3] =	sbarrier.arrive $0xFFFF  }
0x269: {  	_ =	shalt  }

</sc_bundles>
